<compile_context>
chip_gen: v7x
topology: tpu7x:2x2x1
jax: 0.10.2.dev20260603
libtpu: 0.0.44.dev20260713+nightly
codegen_flags: <defaults>
</compile_context>

<pallas_src>
import functools
import jax
import jax.numpy as jnp
from jax import lax
from jax.experimental import pallas as pl
from jax.experimental.pallas import tpu as pltpu
from jax.experimental.pallas import tpu_sc as plsc

N_ROWS = 320000
N_SEG = 10000
D = 128
NC = 2
NS = 16
NW = NC * NS
ROWS_PER_W = N_ROWS // NW
CHUNK = 40
NFULL = ROWS_PER_W // CHUNK
REM = ROWS_PER_W - NFULL * CHUNK
NB = 5
ACC_FULL = N_SEG // CHUNK
ACC_REM = N_SEG - ACC_FULL * CHUNK

_mesh = plsc.VectorSubcoreMesh(
    core_axis_name="c", subcore_axis_name="s", num_cores=NC, num_subcores=NS)


@functools.partial(
    pl.kernel,
    out_type=jax.ShapeDtypeStruct((NC, N_SEG, D), jnp.float32),
    mesh=_mesh,
    scratch_types=[
        pltpu.VMEM((NB, CHUNK), jnp.int32),
        pltpu.VMEM((NB, CHUNK, D), jnp.float32),
        pltpu.VMEM_SHARED((N_SEG, D), jnp.float32),
        [pltpu.SemaphoreType.DMA] * NB,
        pltpu.SemaphoreType.DMA,
    ],
)
def _seg_sum_sc(data_hbm, ids_hbm, out_hbm, idx_v, rows_v,
                acc_sh, sems, dsem):
    cid = lax.axis_index("c")
    sid = lax.axis_index("s")
    wid = cid * NS + sid

    zero = jnp.zeros((16,), jnp.float32)

    def _zrow(r, _):
        for k in range(D // 16):
            rows_v[0, r, pl.ds(k * 16, 16)] = zero
        return 0

    lax.fori_loop(0, CHUNK, _zrow, 0)

    def _zacc(i, _):
        @pl.when(i % NS == sid)
        def _():
            pltpu.sync_copy(rows_v.at[0], acc_sh.at[pl.ds(i * CHUNK, CHUNK)])
        return 0

    lax.fori_loop(0, ACC_FULL, _zacc, 0)

    if ACC_REM:
        @pl.when(sid == ACC_FULL % NS)
        def _():
            pltpu.sync_copy(rows_v.at[0, pl.ds(0, ACC_REM)],
                            acc_sh.at[pl.ds(ACC_FULL * CHUNK, ACC_REM)])

    base = wid * ROWS_PER_W
    def _fetch(b, i, sem):
        off = base + i * CHUNK
        pltpu.async_copy(ids_hbm.at[pl.ds(off, CHUNK)], idx_v.at[b], sem)
        pltpu.async_copy(data_hbm.at[pl.ds(off, CHUNK)], rows_v.at[b], sem)

    def _wait_fetch(b, sem):
        pltpu.make_async_copy(ids_hbm.at[pl.ds(0, CHUNK)], idx_v.at[b],
                              sem).wait()
        pltpu.make_async_copy(data_hbm.at[pl.ds(0, CHUNK)], rows_v.at[b],
                              sem).wait()

    for b in range(1, NB):
        _fetch(b, b, sems[b])

    plsc.subcore_barrier()

    _fetch(0, 0, sems[0])

    @pl.loop(0, NFULL, step=NB)
    def _ring(g):
        for b in range(NB):
            i = g + b
            _wait_fetch(b, sems[b])
            pltpu.sync_copy(rows_v.at[b], acc_sh.at[idx_v.at[b]], add=True)

            @pl.when(i + NB < NFULL)
            def _():
                _fetch(b, i + NB, sems[b])

    plsc.subcore_barrier()

    def _dump(i, _):
        @pl.when(i % NS == sid)
        def _():
            pltpu.async_copy(acc_sh.at[pl.ds(i * CHUNK, CHUNK)],
                             out_hbm.at[cid, pl.ds(i * CHUNK, CHUNK)], dsem)
        return 0

    lax.fori_loop(0, ACC_FULL, _dump, 0)

    if ACC_REM:
        @pl.when(sid == ACC_FULL % NS)
        def _():
            pltpu.async_copy(acc_sh.at[pl.ds(ACC_FULL * CHUNK, ACC_REM)],
                             out_hbm.at[cid, pl.ds(ACC_FULL * CHUNK, ACC_REM)],
                             dsem)

    def _dump_wait(i, _):
        @pl.when(i % NS == sid)
        def _():
            pltpu.make_async_copy(
                acc_sh.at[pl.ds(i * CHUNK, CHUNK)],
                out_hbm.at[cid, pl.ds(i * CHUNK, CHUNK)], dsem).wait()
        return 0

    lax.fori_loop(0, ACC_FULL, _dump_wait, 0)

    if ACC_REM:
        @pl.when(sid == ACC_FULL % NS)
        def _():
            pltpu.make_async_copy(
                acc_sh.at[pl.ds(ACC_FULL * CHUNK, ACC_REM)],
                out_hbm.at[cid, pl.ds(ACC_FULL * CHUNK, ACC_REM)], dsem).wait()


def _add_body(a_ref, b_ref, o_ref):
    o_ref[...] = a_ref[0] + b_ref[0]


def _combine(partials):
    blk = 5000
    return pl.pallas_call(
        _add_body,
        out_shape=jax.ShapeDtypeStruct((N_SEG, D), jnp.float32),
        grid=(N_SEG // blk,),
        in_specs=[
            pl.BlockSpec((1, blk, D), lambda i: (0, i, 0)),
            pl.BlockSpec((1, blk, D), lambda i: (1, i, 0)),
        ],
        out_specs=pl.BlockSpec((blk, D), lambda i: (i, 0)),
    )(partials, partials)


@jax.jit
def kernel(data, segment_ids):
    ids = segment_ids.astype(jnp.int32)
    partials = _seg_sum_sc(data, ids)
    return _combine(partials)

# --- scband reference (transcript-rebuilt; emitter-appended) ---
"""Pipeline reference for scband-scatter-base-38843684225658 (READ-ONLY COPY).

The authoritative reference and input builder live on the scoring server;
editing this copy changes nothing except your own understanding.
"""

import jax, jax.numpy as jnp
import numpy as np

N_SEGMENTS = 10000


def setup_inputs(seed: int = 0) -> dict:
    key = jax.random.key(seed)
    k1, k2 = jax.random.split(key)
    data = jax.random.normal(k1, (320000, 128), dtype=jnp.float32)
    segment_ids = jnp.sort(jax.random.randint(k2, (320000,), 0, N_SEGMENTS, dtype=jnp.int64))
    return {"data": data, "segment_ids": segment_ids}


def reference(data, segment_ids):
    # _ScatterBase with reduce='sum': scatter-add of row vectors into
    # per-segment accumulators (a segment sum reduce).
    out = jax.ops.segment_sum(data, segment_ids, num_segments=N_SEGMENTS, indices_are_sorted=True)
    return out

if __name__ == "__main__":
    import jax
    _d = setup_inputs()
    print(jax.jit(kernel)(*tuple(_d.values())))

</pallas_src>

<mosaic_0001>
#map = affine_map<(d0, d1) -> (0, 0)>
#map1 = affine_map<(d0, d1) -> (0)>
#map2 = affine_map<(d0, d1) -> (0, 0, 0)>
module attributes {stable_mosaic.version = 14 : i64} {
  func.func @_seg_sum_sc(%arg0: i32, %arg1: i32, %arg2: memref<320000x128xf32, #tpu.memory_space<hbm>>, %arg3: memref<320000xi32, #tpu.memory_space<hbm>>, %arg4: memref<2x10000x128xf32, #tpu.memory_space<hbm>>, %arg5: memref<5x40xi32, #tpu.memory_space<vmem>>, %arg6: memref<5x40x128xf32, #tpu.memory_space<vmem>>, %arg7: memref<10000x128xf32, #tpu.memory_space<vmem_shared>>, %arg8: memref<!tpu.dma_semaphore, #tpu.memory_space<semaphore_mem>>, %arg9: memref<!tpu.dma_semaphore, #tpu.memory_space<semaphore_mem>>, %arg10: memref<!tpu.dma_semaphore, #tpu.memory_space<semaphore_mem>>, %arg11: memref<!tpu.dma_semaphore, #tpu.memory_space<semaphore_mem>>, %arg12: memref<!tpu.dma_semaphore, #tpu.memory_space<semaphore_mem>>, %arg13: memref<!tpu.dma_semaphore, #tpu.memory_space<semaphore_mem>>) attributes {dimension_semantics = [#tpu.dimension_semantics<core_parallel>, #tpu.dimension_semantics<subcore_parallel>], iteration_bounds = array<i64: 2, 16>, scalar_prefetch = 0 : i64, scratch_operands = 9 : i64, tpu.core_type = #tpu.core_type<sc_vector_subcore>, window_params = [{transform_indices = #map}, {transform_indices = #map1}, {transform_indices = #map2}]} {
    %mul3A = arith.constant 16 : i32
    %mul3A_0 = arith.muli %arg0, %mul3A : i32
    %add3A = arith.addi %mul3A_0, %arg1 : i32
    %broadcast_in_dim3A = arith.constant 0.000000e+00 : f32
    %broadcast_in_dim3A_1 = vector.broadcast %broadcast_in_dim3A : f32 to vector<16xf32>
    %scan3A = arith.constant 0 : i32
    %scan3A_2 = arith.constant 0 : i32
    %scan3A_3 = arith.constant 40 : i32
    %scan3A_4 = arith.addi %scan3A_2, %scan3A_3 : i32
    %scan3A_5 = arith.constant 1 : i32
    %scan3A_6 = scf.for %scan3A_156 = %scan3A_2 to %scan3A_4 step %scan3A_5 iter_args(%scan3A_157 = %scan3A) -> (i32)  : i32 {
      %swap3A = arith.constant 0 : i32
      %swap3A_158 = arith.index_cast %swap3A : i32 to index
      %swap3A_159 = arith.index_cast %scan3A_156 : i32 to index
      %swap3A_160 = arith.constant 0 : index
      %swap3A_161 = tpu.vector_load %arg6[%swap3A_158, %swap3A_159, %swap3A_160] {strides = array<i32>} : memref<5x40x128xf32, #tpu.memory_space<vmem>>, vector<1x1x16xf32>,
      %swap3A_162 = vector.shape_cast %swap3A_161 : vector<1x1x16xf32> to vector<16xf32>
      %swap3A_163 = vector.shape_cast %broadcast_in_dim3A_1 : vector<16xf32> to vector<1x1x16xf32>
      tpu.vector_store %arg6[%swap3A_158, %swap3A_159, %swap3A_160], %swap3A_163 {strides = array<i32>} : memref<5x40x128xf32, #tpu.memory_space<vmem>>, vector<1x1x16xf32>,
      %swap3A_164 = arith.constant 0 : i32
      %swap3A_165 = arith.index_cast %swap3A_164 : i32 to index
      %swap3A_166 = arith.index_cast %scan3A_156 : i32 to index
      %swap3A_167 = arith.constant 16 : index
      %swap3A_168 = tpu.vector_load %arg6[%swap3A_165, %swap3A_166, %swap3A_167] {strides = array<i32>} : memref<5x40x128xf32, #tpu.memory_space<vmem>>, vector<1x1x16xf32>,
      %swap3A_169 = vector.shape_cast %swap3A_168 : vector<1x1x16xf32> to vector<16xf32>
      %swap3A_170 = vector.shape_cast %broadcast_in_dim3A_1 : vector<16xf32> to vector<1x1x16xf32>
      tpu.vector_store %arg6[%swap3A_165, %swap3A_166, %swap3A_167], %swap3A_170 {strides = array<i32>} : memref<5x40x128xf32, #tpu.memory_space<vmem>>, vector<1x1x16xf32>,
      %swap3A_171 = arith.constant 0 : i32
      %swap3A_172 = arith.index_cast %swap3A_171 : i32 to index
      %swap3A_173 = arith.index_cast %scan3A_156 : i32 to index
      %swap3A_174 = arith.constant 32 : index
      %swap3A_175 = tpu.vector_load %arg6[%swap3A_172, %swap3A_173, %swap3A_174] {strides = array<i32>} : memref<5x40x128xf32, #tpu.memory_space<vmem>>, vector<1x1x16xf32>,
      %swap3A_176 = vector.shape_cast %swap3A_175 : vector<1x1x16xf32> to vector<16xf32>
      %swap3A_177 = vector.shape_cast %broadcast_in_dim3A_1 : vector<16xf32> to vector<1x1x16xf32>
      tpu.vector_store %arg6[%swap3A_172, %swap3A_173, %swap3A_174], %swap3A_177 {strides = array<i32>} : memref<5x40x128xf32, #tpu.memory_space<vmem>>, vector<1x1x16xf32>,
      %swap3A_178 = arith.constant 0 : i32
      %swap3A_179 = arith.index_cast %swap3A_178 : i32 to index
      %swap3A_180 = arith.index_cast %scan3A_156 : i32 to index
      %swap3A_181 = arith.constant 48 : index
      %swap3A_182 = tpu.vector_load %arg6[%swap3A_179, %swap3A_180, %swap3A_181] {strides = array<i32>} : memref<5x40x128xf32, #tpu.memory_space<vmem>>, vector<1x1x16xf32>,
      %swap3A_183 = vector.shape_cast %swap3A_182 : vector<1x1x16xf32> to vector<16xf32>
      %swap3A_184 = vector.shape_cast %broadcast_in_dim3A_1 : vector<16xf32> to vector<1x1x16xf32>
      tpu.vector_store %arg6[%swap3A_179, %swap3A_180, %swap3A_181], %swap3A_184 {strides = array<i32>} : memref<5x40x128xf32, #tpu.memory_space<vmem>>, vector<1x1x16xf32>,
      %swap3A_185 = arith.constant 0 : i32
      %swap3A_186 = arith.index_cast %swap3A_185 : i32 to index
      %swap3A_187 = arith.index_cast %scan3A_156 : i32 to index
      %swap3A_188 = arith.constant 64 : index
      %swap3A_189 = tpu.vector_load %arg6[%swap3A_186, %swap3A_187, %swap3A_188] {strides = array<i32>} : memref<5x40x128xf32, #tpu.memory_space<vmem>>, vector<1x1x16xf32>,
      %swap3A_190 = vector.shape_cast %swap3A_189 : vector<1x1x16xf32> to vector<16xf32>
      %swap3A_191 = vector.shape_cast %broadcast_in_dim3A_1 : vector<16xf32> to vector<1x1x16xf32>
      tpu.vector_store %arg6[%swap3A_186, %swap3A_187, %swap3A_188], %swap3A_191 {strides = array<i32>} : memref<5x40x128xf32, #tpu.memory_space<vmem>>, vector<1x1x16xf32>,
      %swap3A_192 = arith.constant 0 : i32
      %swap3A_193 = arith.index_cast %swap3A_192 : i32 to index
      %swap3A_194 = arith.index_cast %scan3A_156 : i32 to index
      %swap3A_195 = arith.constant 80 : index
      %swap3A_196 = tpu.vector_load %arg6[%swap3A_193, %swap3A_194, %swap3A_195] {strides = array<i32>} : memref<5x40x128xf32, #tpu.memory_space<vmem>>, vector<1x1x16xf32>,
      %swap3A_197 = vector.shape_cast %swap3A_196 : vector<1x1x16xf32> to vector<16xf32>
      %swap3A_198 = vector.shape_cast %broadcast_in_dim3A_1 : vector<16xf32> to vector<1x1x16xf32>
      tpu.vector_store %arg6[%swap3A_193, %swap3A_194, %swap3A_195], %swap3A_198 {strides = array<i32>} : memref<5x40x128xf32, #tpu.memory_space<vmem>>, vector<1x1x16xf32>,
      %swap3A_199 = arith.constant 0 : i32
      %swap3A_200 = arith.index_cast %swap3A_199 : i32 to index
      %swap3A_201 = arith.index_cast %scan3A_156 : i32 to index
      %swap3A_202 = arith.constant 96 : index
      %swap3A_203 = tpu.vector_load %arg6[%swap3A_200, %swap3A_201, %swap3A_202] {strides = array<i32>} : memref<5x40x128xf32, #tpu.memory_space<vmem>>, vector<1x1x16xf32>,
      %swap3A_204 = vector.shape_cast %swap3A_203 : vector<1x1x16xf32> to vector<16xf32>
      %swap3A_205 = vector.shape_cast %broadcast_in_dim3A_1 : vector<16xf32> to vector<1x1x16xf32>
      tpu.vector_store %arg6[%swap3A_200, %swap3A_201, %swap3A_202], %swap3A_205 {strides = array<i32>} : memref<5x40x128xf32, #tpu.memory_space<vmem>>, vector<1x1x16xf32>,
      %swap3A_206 = arith.constant 0 : i32
      %swap3A_207 = arith.index_cast %swap3A_206 : i32 to index
      %swap3A_208 = arith.index_cast %scan3A_156 : i32 to index
      %swap3A_209 = arith.constant 112 : index
      %swap3A_210 = tpu.vector_load %arg6[%swap3A_207, %swap3A_208, %swap3A_209] {strides = array<i32>} : memref<5x40x128xf32, #tpu.memory_space<vmem>>, vector<1x1x16xf32>,
      %swap3A_211 = vector.shape_cast %swap3A_210 : vector<1x1x16xf32> to vector<16xf32>
      %swap3A_212 = vector.shape_cast %broadcast_in_dim3A_1 : vector<16xf32> to vector<1x1x16xf32>
      tpu.vector_store %arg6[%swap3A_207, %swap3A_208, %swap3A_209], %swap3A_212 {strides = array<i32>} : memref<5x40x128xf32, #tpu.memory_space<vmem>>, vector<1x1x16xf32>,
      %scan3A_213 = arith.constant 0 : i32
      scf.yield %scan3A_213 : i32
    }
    %scan3A_7 = arith.constant 40 : i32
    %scan3A_8 = arith.constant 0 : i32
    %scan3A_9 = arith.constant 0 : i32
    %scan3A_10 = arith.constant 250 : i32
    %scan3A_11 = arith.addi %scan3A_9, %scan3A_10 : i32
    %scan3A_12 = arith.constant 1 : i32
    %scan3A_13 = scf.for %scan3A_156 = %scan3A_9 to %scan3A_11 step %scan3A_12 iter_args(%scan3A_157 = %scan3A_8) -> (i32)  : i32 {
      %jit3A = arith.constant 16 : i32
      %eq3A = arith.constant 0 : i32
      %eq3A_158 = arith.cmpi eq, %jit3A, %eq3A : i32
      %jit3A_159 = arith.constant 1 : i32
      %select_n3A = arith.select %eq3A_158, %jit3A_159, %jit3A : i32
      %rem3A = arith.remsi %scan3A_156, %select_n3A : i32
      %ne3A = arith.constant 0 : i32
      %ne3A_160 = arith.cmpi ne, %rem3A, %ne3A : i32
      %lt3A = arith.constant 0 : i32
      %lt3A_161 = arith.cmpi slt, %rem3A, %lt3A : i32
      %lt3A_162 = arith.constant 0 : i32
      %lt3A_163 = arith.cmpi slt, %select_n3A, %lt3A_162 : i32
      %ne3A_164 = arith.xori %lt3A_161, %lt3A_163 : i1
      %and3A = arith.andi %ne3A_164, %ne3A_160 : i1
      %add3A_165 = arith.addi %rem3A, %select_n3A : i32
      %select_n3A_166 = arith.select %and3A, %add3A_165, %rem3A : i32
      %eq3A_167 = arith.cmpi eq, %select_n3A_166, %arg1 : i32
      %convert_element_type3A = arith.extui %eq3A_167 : i1 to i32
      %cond3A = arith.constant 0 : i32
      %cond3A_168 = arith.cmpi ne, %convert_element_type3A, %cond3A : i32
      scf.if %cond3A_168 {
        %mul3A_170 = arith.constant 40 : i32
        %mul3A_171 = arith.muli %scan3A_156, %mul3A_170 : i32
        %run_scoped3A = arith.constant 0 : i32
        "tpu.region"() ({
          %run_scoped3A_172 = tpu.sem_alloc : memref<!tpu.dma_semaphore, #tpu.memory_space<semaphore_mem>>
          %dma_start3A_173 = arith.constant 0 : i32
          %dma_start3A_174 = arith.constant 0 : i32
          %dma_start3A_175 = tpu.memref_slice %arg6[%run_scoped3A, %dma_start3A_173, %dma_start3A_174] : memref<5x40x128xf32, #tpu.memory_space<vmem>> -> memref<1x40x128xf32, #tpu.memory_space<vmem>>
          %dma_start3A_176 = tpu.memref_squeeze %dma_start3A_175 : memref<1x40x128xf32, #tpu.memory_space<vmem>> -> memref<40x128xf32, #tpu.memory_space<vmem>>
          %dma_start3A_177 = arith.constant 0 : i32
          %dma_start3A_178 = tpu.memref_slice %arg7[%mul3A_171, %dma_start3A_177] : memref<10000x128xf32, #tpu.memory_space<vmem_shared>> -> memref<40x128xf32, #tpu.memory_space<vmem_shared>>
          %dma_start3A_179 = arith.constant 0 : i32
          %dma_start3A_180 = tpu.memref_slice %arg7[%mul3A_171, %dma_start3A_179] : memref<10000x128xf32, #tpu.memory_space<vmem_shared>> -> memref<40x128xf32, #tpu.memory_space<vmem_shared>>
          %dma_start3A_181 = arith.constant 0 : i32
          %dma_start3A_182 = arith.constant 0 : i32
          %dma_start3A_183 = tpu.memref_slice %arg6[%run_scoped3A, %dma_start3A_181, %dma_start3A_182] : memref<5x40x128xf32, #tpu.memory_space<vmem>> -> memref<1x40x128xf32, #tpu.memory_space<vmem>>
          %dma_start3A_184 = tpu.memref_squeeze %dma_start3A_183 : memref<1x40x128xf32, #tpu.memory_space<vmem>> -> memref<40x128xf32, #tpu.memory_space<vmem>>
          tpu.enqueue_dma source(%dma_start3A_184 : memref<40x128xf32, #tpu.memory_space<vmem>>) target(%dma_start3A_180 : memref<40x128xf32, #tpu.memory_space<vmem_shared>>) target_semaphore(%run_scoped3A_172 : memref<!tpu.dma_semaphore, #tpu.memory_space<semaphore_mem>>)
          %dma_wait3A = arith.constant 0 : i32
          %dma_wait3A_185 = arith.constant 0 : i32
          %dma_wait3A_186 = tpu.memref_slice %arg6[%run_scoped3A, %dma_wait3A, %dma_wait3A_185] : memref<5x40x128xf32, #tpu.memory_space<vmem>> -> memref<1x40x128xf32, #tpu.memory_space<vmem>>
          %dma_wait3A_187 = tpu.memref_squeeze %dma_wait3A_186 : memref<1x40x128xf32, #tpu.memory_space<vmem>> -> memref<40x128xf32, #tpu.memory_space<vmem>>
          %dma_wait3A_188 = arith.constant 0 : i32
          %dma_wait3A_189 = tpu.memref_slice %arg7[%mul3A_171, %dma_wait3A_188] : memref<10000x128xf32, #tpu.memory_space<vmem_shared>> -> memref<40x128xf32, #tpu.memory_space<vmem_shared>>
          %dma_wait3A_190 = arith.constant 0 : i32
          %dma_wait3A_191 = tpu.memref_slice %arg7[%mul3A_171, %dma_wait3A_190] : memref<10000x128xf32, #tpu.memory_space<vmem_shared>> -> memref<40x128xf32, #tpu.memory_space<vmem_shared>>
          %dma_wait3A_192 = arith.constant 0 : i32
          %dma_wait3A_193 = arith.constant 0 : i32
          %dma_wait3A_194 = tpu.memref_slice %arg6[%run_scoped3A, %dma_wait3A_192, %dma_wait3A_193] : memref<5x40x128xf32, #tpu.memory_space<vmem>> -> memref<1x40x128xf32, #tpu.memory_space<vmem>>
          %dma_wait3A_195 = tpu.memref_squeeze %dma_wait3A_194 : memref<1x40x128xf32, #tpu.memory_space<vmem>> -> memref<40x128xf32, #tpu.memory_space<vmem>>
          tpu.wait_dma2 semaphore(%run_scoped3A_172 : memref<!tpu.dma_semaphore, #tpu.memory_space<semaphore_mem>>) src(%dma_wait3A_195 : memref<40x128xf32, #tpu.memory_space<vmem>>) dst(%dma_wait3A_191 : memref<40x128xf32, #tpu.memory_space<vmem_shared>>)
          tpu.yield
        }) : () -> ()
      } else {
      }
      %scan3A_169 = arith.constant 0 : i32
      scf.yield %scan3A_169 : i32
    }
    %scan3A_14 = arith.constant 250 : i32
    %mul3A_15 = arith.constant 10000 : i32
    %mul3A_16 = arith.muli %add3A, %mul3A_15 : i32
    %add3A_17 = arith.constant 40 : i32
    %add3A_18 = arith.addi %mul3A_16, %add3A_17 : i32
    %dma_start3A = arith.constant 1 : i32
    %dma_start3A_19 = arith.constant 0 : i32
    %dma_start3A_20 = tpu.memref_slice %arg5[%dma_start3A, %dma_start3A_19] : memref<5x40xi32, #tpu.memory_space<vmem>> -> memref<1x40xi32, #tpu.memory_space<vmem>>
    %dma_start3A_21 = tpu.memref_squeeze %dma_start3A_20 : memref<1x40xi32, #tpu.memory_space<vmem>> -> memref<40xi32, #tpu.memory_space<vmem>>
    %dma_start3A_22 = tpu.memref_slice %arg3[%add3A_18] : memref<320000xi32, #tpu.memory_space<hbm>> -> memref<40xi32, #tpu.memory_space<hbm>>
    %dma_start3A_23 = arith.constant 0 : i32
    %dma_start3A_24 = tpu.memref_slice %arg5[%dma_start3A, %dma_start3A_23] : memref<5x40xi32, #tpu.memory_space<vmem>> -> memref<1x40xi32, #tpu.memory_space<vmem>>
    %dma_start3A_25 = tpu.memref_squeeze %dma_start3A_24 : memref<1x40xi32, #tpu.memory_space<vmem>> -> memref<40xi32, #tpu.memory_space<vmem>>
    %dma_start3A_26 = tpu.memref_slice %arg3[%add3A_18] : memref<320000xi32, #tpu.memory_space<hbm>> -> memref<40xi32, #tpu.memory_space<hbm>>
    tpu.enqueue_dma source(%dma_start3A_26 : memref<40xi32, #tpu.memory_space<hbm>>) target(%dma_start3A_25 : memref<40xi32, #tpu.memory_space<vmem>>) target_semaphore(%arg9 : memref<!tpu.dma_semaphore, #tpu.memory_space<semaphore_mem>>)
    %dma_start3A_27 = arith.constant 1 : i32
    %dma_start3A_28 = arith.constant 0 : i32
    %dma_start3A_29 = arith.constant 0 : i32
    %dma_start3A_30 = tpu.memref_slice %arg6[%dma_start3A_27, %dma_start3A_28, %dma_start3A_29] : memref<5x40x128xf32, #tpu.memory_space<vmem>> -> memref<1x40x128xf32, #tpu.memory_space<vmem>>
    %dma_start3A_31 = tpu.memref_squeeze %dma_start3A_30 : memref<1x40x128xf32, #tpu.memory_space<vmem>> -> memref<40x128xf32, #tpu.memory_space<vmem>>
    %dma_start3A_32 = arith.constant 0 : i32
    %dma_start3A_33 = tpu.memref_slice %arg2[%add3A_18, %dma_start3A_32] : memref<320000x128xf32, #tpu.memory_space<hbm>> -> memref<40x128xf32, #tpu.memory_space<hbm>>
    %dma_start3A_34 = arith.constant 0 : i32
    %dma_start3A_35 = arith.constant 0 : i32
    %dma_start3A_36 = tpu.memref_slice %arg6[%dma_start3A_27, %dma_start3A_34, %dma_start3A_35] : memref<5x40x128xf32, #tpu.memory_space<vmem>> -> memref<1x40x128xf32, #tpu.memory_space<vmem>>
    %dma_start3A_37 = tpu.memref_squeeze %dma_start3A_36 : memref<1x40x128xf32, #tpu.memory_space<vmem>> -> memref<40x128xf32, #tpu.memory_space<vmem>>
    %dma_start3A_38 = arith.constant 0 : i32
    %dma_start3A_39 = tpu.memref_slice %arg2[%add3A_18, %dma_start3A_38] : memref<320000x128xf32, #tpu.memory_space<hbm>> -> memref<40x128xf32, #tpu.memory_space<hbm>>
    tpu.enqueue_dma source(%dma_start3A_39 : memref<40x128xf32, #tpu.memory_space<hbm>>) target(%dma_start3A_37 : memref<40x128xf32, #tpu.memory_space<vmem>>) target_semaphore(%arg9 : memref<!tpu.dma_semaphore, #tpu.memory_space<semaphore_mem>>)
    %add3A_40 = arith.constant 80 : i32
    %add3A_41 = arith.addi %mul3A_16, %add3A_40 : i32
    %dma_start3A_42 = arith.constant 2 : i32
    %dma_start3A_43 = arith.constant 0 : i32
    %dma_start3A_44 = tpu.memref_slice %arg5[%dma_start3A_42, %dma_start3A_43] : memref<5x40xi32, #tpu.memory_space<vmem>> -> memref<1x40xi32, #tpu.memory_space<vmem>>
    %dma_start3A_45 = tpu.memref_squeeze %dma_start3A_44 : memref<1x40xi32, #tpu.memory_space<vmem>> -> memref<40xi32, #tpu.memory_space<vmem>>
    %dma_start3A_46 = tpu.memref_slice %arg3[%add3A_41] : memref<320000xi32, #tpu.memory_space<hbm>> -> memref<40xi32, #tpu.memory_space<hbm>>
    %dma_start3A_47 = arith.constant 0 : i32
    %dma_start3A_48 = tpu.memref_slice %arg5[%dma_start3A_42, %dma_start3A_47] : memref<5x40xi32, #tpu.memory_space<vmem>> -> memref<1x40xi32, #tpu.memory_space<vmem>>
    %dma_start3A_49 = tpu.memref_squeeze %dma_start3A_48 : memref<1x40xi32, #tpu.memory_space<vmem>> -> memref<40xi32, #tpu.memory_space<vmem>>
    %dma_start3A_50 = tpu.memref_slice %arg3[%add3A_41] : memref<320000xi32, #tpu.memory_space<hbm>> -> memref<40xi32, #tpu.memory_space<hbm>>
    tpu.enqueue_dma source(%dma_start3A_50 : memref<40xi32, #tpu.memory_space<hbm>>) target(%dma_start3A_49 : memref<40xi32, #tpu.memory_space<vmem>>) target_semaphore(%arg10 : memref<!tpu.dma_semaphore, #tpu.memory_space<semaphore_mem>>)
    %dma_start3A_51 = arith.constant 2 : i32
    %dma_start3A_52 = arith.constant 0 : i32
    %dma_start3A_53 = arith.constant 0 : i32
    %dma_start3A_54 = tpu.memref_slice %arg6[%dma_start3A_51, %dma_start3A_52, %dma_start3A_53] : memref<5x40x128xf32, #tpu.memory_space<vmem>> -> memref<1x40x128xf32, #tpu.memory_space<vmem>>
    %dma_start3A_55 = tpu.memref_squeeze %dma_start3A_54 : memref<1x40x128xf32, #tpu.memory_space<vmem>> -> memref<40x128xf32, #tpu.memory_space<vmem>>
    %dma_start3A_56 = arith.constant 0 : i32
    %dma_start3A_57 = tpu.memref_slice %arg2[%add3A_41, %dma_start3A_56] : memref<320000x128xf32, #tpu.memory_space<hbm>> -> memref<40x128xf32, #tpu.memory_space<hbm>>
    %dma_start3A_58 = arith.constant 0 : i32
    %dma_start3A_59 = arith.constant 0 : i32
    %dma_start3A_60 = tpu.memref_slice %arg6[%dma_start3A_51, %dma_start3A_58, %dma_start3A_59] : memref<5x40x128xf32, #tpu.memory_space<vmem>> -> memref<1x40x128xf32, #tpu.memory_space<vmem>>
    %dma_start3A_61 = tpu.memref_squeeze %dma_start3A_60 : memref<1x40x128xf32, #tpu.memory_space<vmem>> -> memref<40x128xf32, #tpu.memory_space<vmem>>
    %dma_start3A_62 = arith.constant 0 : i32
    %dma_start3A_63 = tpu.memref_slice %arg2[%add3A_41, %dma_start3A_62] : memref<320000x128xf32, #tpu.memory_space<hbm>> -> memref<40x128xf32, #tpu.memory_space<hbm>>
    tpu.enqueue_dma source(%dma_start3A_63 : memref<40x128xf32, #tpu.memory_space<hbm>>) target(%dma_start3A_61 : memref<40x128xf32, #tpu.memory_space<vmem>>) target_semaphore(%arg10 : memref<!tpu.dma_semaphore, #tpu.memory_space<semaphore_mem>>)
    %add3A_64 = arith.constant 120 : i32
    %add3A_65 = arith.addi %mul3A_16, %add3A_64 : i32
    %dma_start3A_66 = arith.constant 3 : i32
    %dma_start3A_67 = arith.constant 0 : i32
    %dma_start3A_68 = tpu.memref_slice %arg5[%dma_start3A_66, %dma_start3A_67] : memref<5x40xi32, #tpu.memory_space<vmem>> -> memref<1x40xi32, #tpu.memory_space<vmem>>
    %dma_start3A_69 = tpu.memref_squeeze %dma_start3A_68 : memref<1x40xi32, #tpu.memory_space<vmem>> -> memref<40xi32, #tpu.memory_space<vmem>>
    %dma_start3A_70 = tpu.memref_slice %arg3[%add3A_65] : memref<320000xi32, #tpu.memory_space<hbm>> -> memref<40xi32, #tpu.memory_space<hbm>>
    %dma_start3A_71 = arith.constant 0 : i32
    %dma_start3A_72 = tpu.memref_slice %arg5[%dma_start3A_66, %dma_start3A_71] : memref<5x40xi32, #tpu.memory_space<vmem>> -> memref<1x40xi32, #tpu.memory_space<vmem>>
    %dma_start3A_73 = tpu.memref_squeeze %dma_start3A_72 : memref<1x40xi32, #tpu.memory_space<vmem>> -> memref<40xi32, #tpu.memory_space<vmem>>
    %dma_start3A_74 = tpu.memref_slice %arg3[%add3A_65] : memref<320000xi32, #tpu.memory_space<hbm>> -> memref<40xi32, #tpu.memory_space<hbm>>
    tpu.enqueue_dma source(%dma_start3A_74 : memref<40xi32, #tpu.memory_space<hbm>>) target(%dma_start3A_73 : memref<40xi32, #tpu.memory_space<vmem>>) target_semaphore(%arg11 : memref<!tpu.dma_semaphore, #tpu.memory_space<semaphore_mem>>)
    %dma_start3A_75 = arith.constant 3 : i32
    %dma_start3A_76 = arith.constant 0 : i32
    %dma_start3A_77 = arith.constant 0 : i32
    %dma_start3A_78 = tpu.memref_slice %arg6[%dma_start3A_75, %dma_start3A_76, %dma_start3A_77] : memref<5x40x128xf32, #tpu.memory_space<vmem>> -> memref<1x40x128xf32, #tpu.memory_space<vmem>>
    %dma_start3A_79 = tpu.memref_squeeze %dma_start3A_78 : memref<1x40x128xf32, #tpu.memory_space<vmem>> -> memref<40x128xf32, #tpu.memory_space<vmem>>
    %dma_start3A_80 = arith.constant 0 : i32
    %dma_start3A_81 = tpu.memref_slice %arg2[%add3A_65, %dma_start3A_80] : memref<320000x128xf32, #tpu.memory_space<hbm>> -> memref<40x128xf32, #tpu.memory_space<hbm>>
    %dma_start3A_82 = arith.constant 0 : i32
    %dma_start3A_83 = arith.constant 0 : i32
    %dma_start3A_84 = tpu.memref_slice %arg6[%dma_start3A_75, %dma_start3A_82, %dma_start3A_83] : memref<5x40x128xf32, #tpu.memory_space<vmem>> -> memref<1x40x128xf32, #tpu.memory_space<vmem>>
    %dma_start3A_85 = tpu.memref_squeeze %dma_start3A_84 : memref<1x40x128xf32, #tpu.memory_space<vmem>> -> memref<40x128xf32, #tpu.memory_space<vmem>>
    %dma_start3A_86 = arith.constant 0 : i32
    %dma_start3A_87 = tpu.memref_slice %arg2[%add3A_65, %dma_start3A_86] : memref<320000x128xf32, #tpu.memory_space<hbm>> -> memref<40x128xf32, #tpu.memory_space<hbm>>
    tpu.enqueue_dma source(%dma_start3A_87 : memref<40x128xf32, #tpu.memory_space<hbm>>) target(%dma_start3A_85 : memref<40x128xf32, #tpu.memory_space<vmem>>) target_semaphore(%arg11 : memref<!tpu.dma_semaphore, #tpu.memory_space<semaphore_mem>>)
    %add3A_88 = arith.constant 160 : i32
    %add3A_89 = arith.addi %mul3A_16, %add3A_88 : i32
    %dma_start3A_90 = arith.constant 4 : i32
    %dma_start3A_91 = arith.constant 0 : i32
    %dma_start3A_92 = tpu.memref_slice %arg5[%dma_start3A_90, %dma_start3A_91] : memref<5x40xi32, #tpu.memory_space<vmem>> -> memref<1x40xi32, #tpu.memory_space<vmem>>
    %dma_start3A_93 = tpu.memref_squeeze %dma_start3A_92 : memref<1x40xi32, #tpu.memory_space<vmem>> -> memref<40xi32, #tpu.memory_space<vmem>>
    %dma_start3A_94 = tpu.memref_slice %arg3[%add3A_89] : memref<320000xi32, #tpu.memory_space<hbm>> -> memref<40xi32, #tpu.memory_space<hbm>>
    %dma_start3A_95 = arith.constant 0 : i32
    %dma_start3A_96 = tpu.memref_slice %arg5[%dma_start3A_90, %dma_start3A_95] : memref<5x40xi32, #tpu.memory_space<vmem>> -> memref<1x40xi32, #tpu.memory_space<vmem>>
    %dma_start3A_97 = tpu.memref_squeeze %dma_start3A_96 : memref<1x40xi32, #tpu.memory_space<vmem>> -> memref<40xi32, #tpu.memory_space<vmem>>
    %dma_start3A_98 = tpu.memref_slice %arg3[%add3A_89] : memref<320000xi32, #tpu.memory_space<hbm>> -> memref<40xi32, #tpu.memory_space<hbm>>
    tpu.enqueue_dma source(%dma_start3A_98 : memref<40xi32, #tpu.memory_space<hbm>>) target(%dma_start3A_97 : memref<40xi32, #tpu.memory_space<vmem>>) target_semaphore(%arg12 : memref<!tpu.dma_semaphore, #tpu.memory_space<semaphore_mem>>)
    %dma_start3A_99 = arith.constant 4 : i32
    %dma_start3A_100 = arith.constant 0 : i32
    %dma_start3A_101 = arith.constant 0 : i32
    %dma_start3A_102 = tpu.memref_slice %arg6[%dma_start3A_99, %dma_start3A_100, %dma_start3A_101] : memref<5x40x128xf32, #tpu.memory_space<vmem>> -> memref<1x40x128xf32, #tpu.memory_space<vmem>>
    %dma_start3A_103 = tpu.memref_squeeze %dma_start3A_102 : memref<1x40x128xf32, #tpu.memory_space<vmem>> -> memref<40x128xf32, #tpu.memory_space<vmem>>
    %dma_start3A_104 = arith.constant 0 : i32
    %dma_start3A_105 = tpu.memref_slice %arg2[%add3A_89, %dma_start3A_104] : memref<320000x128xf32, #tpu.memory_space<hbm>> -> memref<40x128xf32, #tpu.memory_space<hbm>>
    %dma_start3A_106 = arith.constant 0 : i32
    %dma_start3A_107 = arith.constant 0 : i32
    %dma_start3A_108 = tpu.memref_slice %arg6[%dma_start3A_99, %dma_start3A_106, %dma_start3A_107] : memref<5x40x128xf32, #tpu.memory_space<vmem>> -> memref<1x40x128xf32, #tpu.memory_space<vmem>>
    %dma_start3A_109 = tpu.memref_squeeze %dma_start3A_108 : memref<1x40x128xf32, #tpu.memory_space<vmem>> -> memref<40x128xf32, #tpu.memory_space<vmem>>
    %dma_start3A_110 = arith.constant 0 : i32
    %dma_start3A_111 = tpu.memref_slice %arg2[%add3A_89, %dma_start3A_110] : memref<320000x128xf32, #tpu.memory_space<hbm>> -> memref<40x128xf32, #tpu.memory_space<hbm>>
    tpu.enqueue_dma source(%dma_start3A_111 : memref<40x128xf32, #tpu.memory_space<hbm>>) target(%dma_start3A_109 : memref<40x128xf32, #tpu.memory_space<vmem>>) target_semaphore(%arg12 : memref<!tpu.dma_semaphore, #tpu.memory_space<semaphore_mem>>)
    %barrier3A = arith.constant 0 : index
    tpu.barrier barrier_id(%barrier3A)
    %add3A_112 = arith.constant 0 : i32
    %add3A_113 = arith.addi %mul3A_16, %add3A_112 : i32
    %dma_start3A_114 = arith.constant 0 : i32
    %dma_start3A_115 = arith.constant 0 : i32
    %dma_start3A_116 = tpu.memref_slice %arg5[%dma_start3A_114, %dma_start3A_115] : memref<5x40xi32, #tpu.memory_space<vmem>> -> memref<1x40xi32, #tpu.memory_space<vmem>>
    %dma_start3A_117 = tpu.memref_squeeze %dma_start3A_116 : memref<1x40xi32, #tpu.memory_space<vmem>> -> memref<40xi32, #tpu.memory_space<vmem>>
    %dma_start3A_118 = tpu.memref_slice %arg3[%add3A_113] : memref<320000xi32, #tpu.memory_space<hbm>> -> memref<40xi32, #tpu.memory_space<hbm>>
    %dma_start3A_119 = arith.constant 0 : i32
    %dma_start3A_120 = tpu.memref_slice %arg5[%dma_start3A_114, %dma_start3A_119] : memref<5x40xi32, #tpu.memory_space<vmem>> -> memref<1x40xi32, #tpu.memory_space<vmem>>
    %dma_start3A_121 = tpu.memref_squeeze %dma_start3A_120 : memref<1x40xi32, #tpu.memory_space<vmem>> -> memref<40xi32, #tpu.memory_space<vmem>>
    %dma_start3A_122 = tpu.memref_slice %arg3[%add3A_113] : memref<320000xi32, #tpu.memory_space<hbm>> -> memref<40xi32, #tpu.memory_space<hbm>>
    tpu.enqueue_dma source(%dma_start3A_122 : memref<40xi32, #tpu.memory_space<hbm>>) target(%dma_start3A_121 : memref<40xi32, #tpu.memory_space<vmem>>) target_semaphore(%arg8 : memref<!tpu.dma_semaphore, #tpu.memory_space<semaphore_mem>>)
    %dma_start3A_123 = arith.constant 0 : i32
    %dma_start3A_124 = arith.constant 0 : i32
    %dma_start3A_125 = arith.constant 0 : i32
    %dma_start3A_126 = tpu.memref_slice %arg6[%dma_start3A_123, %dma_start3A_124, %dma_start3A_125] : memref<5x40x128xf32, #tpu.memory_space<vmem>> -> memref<1x40x128xf32, #tpu.memory_space<vmem>>
    %dma_start3A_127 = tpu.memref_squeeze %dma_start3A_126 : memref<1x40x128xf32, #tpu.memory_space<vmem>> -> memref<40x128xf32, #tpu.memory_space<vmem>>
    %dma_start3A_128 = arith.constant 0 : i32
    %dma_start3A_129 = tpu.memref_slice %arg2[%add3A_113, %dma_start3A_128] : memref<320000x128xf32, #tpu.memory_space<hbm>> -> memref<40x128xf32, #tpu.memory_space<hbm>>
    %dma_start3A_130 = arith.constant 0 : i32
    %dma_start3A_131 = arith.constant 0 : i32
    %dma_start3A_132 = tpu.memref_slice %arg6[%dma_start3A_123, %dma_start3A_130, %dma_start3A_131] : memref<5x40x128xf32, #tpu.memory_space<vmem>> -> memref<1x40x128xf32, #tpu.memory_space<vmem>>
    %dma_start3A_133 = tpu.memref_squeeze %dma_start3A_132 : memref<1x40x128xf32, #tpu.memory_space<vmem>> -> memref<40x128xf32, #tpu.memory_space<vmem>>
    %dma_start3A_134 = arith.constant 0 : i32
    %dma_start3A_135 = tpu.memref_slice %arg2[%add3A_113, %dma_start3A_134] : memref<320000x128xf32, #tpu.memory_space<hbm>> -> memref<40x128xf32, #tpu.memory_space<hbm>>
    tpu.enqueue_dma source(%dma_start3A_135 : memref<40x128xf32, #tpu.memory_space<hbm>>) target(%dma_start3A_133 : memref<40x128xf32, #tpu.memory_space<vmem>>) target_semaphore(%arg8 : memref<!tpu.dma_semaphore, #tpu.memory_space<semaphore_mem>>)
    %scan3A_136 = arith.constant 0 : i32
    %scan3A_137 = arith.constant 50 : i32
    %scan3A_138 = arith.addi %scan3A_136, %scan3A_137 : i32
    %scan3A_139 = arith.constant 1 : i32
    scf.for %scan3A_156 = %scan3A_136 to %scan3A_138 step %scan3A_139  : i32 {
      %mul3A_157 = arith.constant 5 : i32
      %mul3A_158 = arith.muli %scan3A_156, %mul3A_157 : i32
      %add3A_159 = arith.constant 0 : i32
      %add3A_160 = arith.addi %add3A_159, %mul3A_158 : i32
      %add3A_161 = arith.constant 0 : i32
      %add3A_162 = arith.addi %add3A_160, %add3A_161 : i32
      %dma_wait3A = arith.constant 0 : i32
      %dma_wait3A_163 = arith.constant 0 : i32
      %dma_wait3A_164 = tpu.memref_slice %arg5[%dma_wait3A, %dma_wait3A_163] : memref<5x40xi32, #tpu.memory_space<vmem>> -> memref<1x40xi32, #tpu.memory_space<vmem>>
      %dma_wait3A_165 = tpu.memref_squeeze %dma_wait3A_164 : memref<1x40xi32, #tpu.memory_space<vmem>> -> memref<40xi32, #tpu.memory_space<vmem>>
      %dma_wait3A_166 = arith.constant 0 : i32
      %dma_wait3A_167 = tpu.memref_slice %arg3[%dma_wait3A_166] : memref<320000xi32, #tpu.memory_space<hbm>> -> memref<40xi32, #tpu.memory_space<hbm>>
      %dma_wait3A_168 = arith.constant 0 : i32
      %dma_wait3A_169 = tpu.memref_slice %arg5[%dma_wait3A, %dma_wait3A_168] : memref<5x40xi32, #tpu.memory_space<vmem>> -> memref<1x40xi32, #tpu.memory_space<vmem>>
      %dma_wait3A_170 = tpu.memref_squeeze %dma_wait3A_169 : memref<1x40xi32, #tpu.memory_space<vmem>> -> memref<40xi32, #tpu.memory_space<vmem>>
      %dma_wait3A_171 = arith.constant 0 : i32
      %dma_wait3A_172 = tpu.memref_slice %arg3[%dma_wait3A_171] : memref<320000xi32, #tpu.memory_space<hbm>> -> memref<40xi32, #tpu.memory_space<hbm>>
      tpu.wait_dma2 semaphore(%arg8 : memref<!tpu.dma_semaphore, #tpu.memory_space<semaphore_mem>>) src(%dma_wait3A_172 : memref<40xi32, #tpu.memory_space<hbm>>) dst(%dma_wait3A_170 : memref<40xi32, #tpu.memory_space<vmem>>)
      %dma_wait3A_173 = arith.constant 0 : i32
      %dma_wait3A_174 = arith.constant 0 : i32
      %dma_wait3A_175 = arith.constant 0 : i32
      %dma_wait3A_176 = tpu.memref_slice %arg6[%dma_wait3A_173, %dma_wait3A_174, %dma_wait3A_175] : memref<5x40x128xf32, #tpu.memory_space<vmem>> -> memref<1x40x128xf32, #tpu.memory_space<vmem>>
      %dma_wait3A_177 = tpu.memref_squeeze %dma_wait3A_176 : memref<1x40x128xf32, #tpu.memory_space<vmem>> -> memref<40x128xf32, #tpu.memory_space<vmem>>
      %dma_wait3A_178 = arith.constant 0 : i32
      %dma_wait3A_179 = arith.constant 0 : i32
      %dma_wait3A_180 = tpu.memref_slice %arg2[%dma_wait3A_178, %dma_wait3A_179] : memref<320000x128xf32, #tpu.memory_space<hbm>> -> memref<40x128xf32, #tpu.memory_space<hbm>>
      %dma_wait3A_181 = arith.constant 0 : i32
      %dma_wait3A_182 = arith.constant 0 : i32
      %dma_wait3A_183 = tpu.memref_slice %arg6[%dma_wait3A_173, %dma_wait3A_181, %dma_wait3A_182] : memref<5x40x128xf32, #tpu.memory_space<vmem>> -> memref<1x40x128xf32, #tpu.memory_space<vmem>>
      %dma_wait3A_184 = tpu.memref_squeeze %dma_wait3A_183 : memref<1x40x128xf32, #tpu.memory_space<vmem>> -> memref<40x128xf32, #tpu.memory_space<vmem>>
      %dma_wait3A_185 = arith.constant 0 : i32
      %dma_wait3A_186 = arith.constant 0 : i32
      %dma_wait3A_187 = tpu.memref_slice %arg2[%dma_wait3A_185, %dma_wait3A_186] : memref<320000x128xf32, #tpu.memory_space<hbm>> -> memref<40x128xf32, #tpu.memory_space<hbm>>
      tpu.wait_dma2 semaphore(%arg8 : memref<!tpu.dma_semaphore, #tpu.memory_space<semaphore_mem>>) src(%dma_wait3A_187 : memref<40x128xf32, #tpu.memory_space<hbm>>) dst(%dma_wait3A_184 : memref<40x128xf32, #tpu.memory_space<vmem>>)
      %run_scoped3A = arith.constant 0 : i32
      %run_scoped3A_188 = arith.constant 0 : i32
      "tpu.region"() ({
        %run_scoped3A_341 = tpu.sem_alloc : memref<!tpu.dma_semaphore, #tpu.memory_space<semaphore_mem>>
        %dma_start3A_342 = arith.constant 0 : i32
        %dma_start3A_343 = arith.constant 0 : i32
        %dma_start3A_344 = tpu.memref_slice %arg6[%run_scoped3A, %dma_start3A_342, %dma_start3A_343] : memref<5x40x128xf32, #tpu.memory_space<vmem>> -> memref<1x40x128xf32, #tpu.memory_space<vmem>>
        %dma_start3A_345 = tpu.memref_squeeze %dma_start3A_344 : memref<1x40x128xf32, #tpu.memory_space<vmem>> -> memref<40x128xf32, #tpu.memory_space<vmem>>
        %dma_start3A_346 = arith.constant 0 : i32
        %dma_start3A_347 = tpu.memref_slice %arg5[%run_scoped3A_188, %dma_start3A_346] : memref<5x40xi32, #tpu.memory_space<vmem>> -> memref<1x40xi32, #tpu.memory_space<vmem>>
        %dma_start3A_348 = tpu.memref_squeeze %dma_start3A_347 : memref<1x40xi32, #tpu.memory_space<vmem>> -> memref<40xi32, #tpu.memory_space<vmem>>
        %dma_start3A_349 = arith.constant 0 : i32
        %dma_start3A_350 = arith.constant 0 : i32
        %dma_start3A_351 = tpu.memref_slice %arg7[%dma_start3A_349, %dma_start3A_350] : memref<10000x128xf32, #tpu.memory_space<vmem_shared>> -> memref<10000x128xf32, #tpu.memory_space<vmem_shared>>
        tpu.enqueue_indirect_dma source(%dma_start3A_345 : memref<40x128xf32, #tpu.memory_space<vmem>>) target(%dma_start3A_351 : memref<10000x128xf32, #tpu.memory_space<vmem_shared>>) offsets(%dma_start3A_348 : memref<40xi32, #tpu.memory_space<vmem>>) semaphore(%run_scoped3A_341 : memref<!tpu.dma_semaphore, #tpu.memory_space<semaphore_mem>>) {add = true}
        %dma_wait3A_352 = arith.constant 0 : i32
        %dma_wait3A_353 = arith.constant 0 : i32
        %dma_wait3A_354 = tpu.memref_slice %arg6[%run_scoped3A, %dma_wait3A_352, %dma_wait3A_353] : memref<5x40x128xf32, #tpu.memory_space<vmem>> -> memref<1x40x128xf32, #tpu.memory_space<vmem>>
        %dma_wait3A_355 = tpu.memref_squeeze %dma_wait3A_354 : memref<1x40x128xf32, #tpu.memory_space<vmem>> -> memref<40x128xf32, #tpu.memory_space<vmem>>
        %dma_wait3A_356 = arith.constant 0 : i32
        %dma_wait3A_357 = tpu.memref_slice %arg5[%run_scoped3A_188, %dma_wait3A_356] : memref<5x40xi32, #tpu.memory_space<vmem>> -> memref<1x40xi32, #tpu.memory_space<vmem>>
        %dma_wait3A_358 = tpu.memref_squeeze %dma_wait3A_357 : memref<1x40xi32, #tpu.memory_space<vmem>> -> memref<40xi32, #tpu.memory_space<vmem>>
        %dma_wait3A_359 = arith.constant 0 : i32
        %dma_wait3A_360 = arith.constant 0 : i32
        %dma_wait3A_361 = tpu.memref_slice %arg7[%dma_wait3A_359, %dma_wait3A_360] : memref<10000x128xf32, #tpu.memory_space<vmem_shared>> -> memref<10000x128xf32, #tpu.memory_space<vmem_shared>>
        tpu.wait_indirect_dma semaphore(%run_scoped3A_341 : memref<!tpu.dma_semaphore, #tpu.memory_space<semaphore_mem>>) src(%dma_wait3A_355 : memref<40x128xf32, #tpu.memory_space<vmem>>) dst(%dma_wait3A_361 : memref<10000x128xf32, #tpu.memory_space<vmem_shared>>)
        tpu.yield
      }) : () -> ()
      %add3A_189 = arith.constant 5 : i32
      %add3A_190 = arith.addi %add3A_162, %add3A_189 : i32
      %lt3A = arith.constant 250 : i32
      %lt3A_191 = arith.cmpi slt, %add3A_190, %lt3A : i32
      %convert_element_type3A = arith.extui %lt3A_191 : i1 to i32
      %cond3A = arith.constant 0 : i32
      %cond3A_192 = arith.cmpi ne, %convert_element_type3A, %cond3A : i32
      scf.if %cond3A_192 {
        %add3A_341 = arith.constant 5 : i32
        %add3A_342 = arith.addi %add3A_162, %add3A_341 : i32
        %mul3A_343 = arith.constant 40 : i32
        %mul3A_344 = arith.muli %add3A_342, %mul3A_343 : i32
        %add3A_345 = arith.addi %mul3A_16, %mul3A_344 : i32
        %dma_start3A_346 = arith.constant 0 : i32
        %dma_start3A_347 = arith.constant 0 : i32
        %dma_start3A_348 = tpu.memref_slice %arg5[%dma_start3A_346, %dma_start3A_347] : memref<5x40xi32, #tpu.memory_space<vmem>> -> memref<1x40xi32, #tpu.memory_space<vmem>>
        %dma_start3A_349 = tpu.memref_squeeze %dma_start3A_348 : memref<1x40xi32, #tpu.memory_space<vmem>> -> memref<40xi32, #tpu.memory_space<vmem>>
        %dma_start3A_350 = tpu.memref_slice %arg3[%add3A_345] : memref<320000xi32, #tpu.memory_space<hbm>> -> memref<40xi32, #tpu.memory_space<hbm>>
        %dma_start3A_351 = arith.constant 0 : i32
        %dma_start3A_352 = tpu.memref_slice %arg5[%dma_start3A_346, %dma_start3A_351] : memref<5x40xi32, #tpu.memory_space<vmem>> -> memref<1x40xi32, #tpu.memory_space<vmem>>
        %dma_start3A_353 = tpu.memref_squeeze %dma_start3A_352 : memref<1x40xi32, #tpu.memory_space<vmem>> -> memref<40xi32, #tpu.memory_space<vmem>>
        %dma_start3A_354 = tpu.memref_slice %arg3[%add3A_345] : memref<320000xi32, #tpu.memory_space<hbm>> -> memref<40xi32, #tpu.memory_space<hbm>>
        tpu.enqueue_dma source(%dma_start3A_354 : memref<40xi32, #tpu.memory_space<hbm>>) target(%dma_start3A_353 : memref<40xi32, #tpu.memory_space<vmem>>) target_semaphore(%arg8 : memref<!tpu.dma_semaphore, #tpu.memory_space<semaphore_mem>>)
        %dma_start3A_355 = arith.constant 0 : i32
        %dma_start3A_356 = arith.constant 0 : i32
        %dma_start3A_357 = arith.constant 0 : i32
        %dma_start3A_358 = tpu.memref_slice %arg6[%dma_start3A_355, %dma_start3A_356, %dma_start3A_357] : memref<5x40x128xf32, #tpu.memory_space<vmem>> -> memref<1x40x128xf32, #tpu.memory_space<vmem>>
        %dma_start3A_359 = tpu.memref_squeeze %dma_start3A_358 : memref<1x40x128xf32, #tpu.memory_space<vmem>> -> memref<40x128xf32, #tpu.memory_space<vmem>>
        %dma_start3A_360 = arith.constant 0 : i32
        %dma_start3A_361 = tpu.memref_slice %arg2[%add3A_345, %dma_start3A_360] : memref<320000x128xf32, #tpu.memory_space<hbm>> -> memref<40x128xf32, #tpu.memory_space<hbm>>
        %dma_start3A_362 = arith.constant 0 : i32
        %dma_start3A_363 = arith.constant 0 : i32
        %dma_start3A_364 = tpu.memref_slice %arg6[%dma_start3A_355, %dma_start3A_362, %dma_start3A_363] : memref<5x40x128xf32, #tpu.memory_space<vmem>> -> memref<1x40x128xf32, #tpu.memory_space<vmem>>
        %dma_start3A_365 = tpu.memref_squeeze %dma_start3A_364 : memref<1x40x128xf32, #tpu.memory_space<vmem>> -> memref<40x128xf32, #tpu.memory_space<vmem>>
        %dma_start3A_366 = arith.constant 0 : i32
        %dma_start3A_367 = tpu.memref_slice %arg2[%add3A_345, %dma_start3A_366] : memref<320000x128xf32, #tpu.memory_space<hbm>> -> memref<40x128xf32, #tpu.memory_space<hbm>>
        tpu.enqueue_dma source(%dma_start3A_367 : memref<40x128xf32, #tpu.memory_space<hbm>>) target(%dma_start3A_365 : memref<40x128xf32, #tpu.memory_space<vmem>>) target_semaphore(%arg8 : memref<!tpu.dma_semaphore, #tpu.memory_space<semaphore_mem>>)
      } else {
      }
      %add3A_193 = arith.constant 1 : i32
      %add3A_194 = arith.addi %add3A_160, %add3A_193 : i32
      %dma_wait3A_195 = arith.constant 1 : i32
      %dma_wait3A_196 = arith.constant 0 : i32
      %dma_wait3A_197 = tpu.memref_slice %arg5[%dma_wait3A_195, %dma_wait3A_196] : memref<5x40xi32, #tpu.memory_space<vmem>> -> memref<1x40xi32, #tpu.memory_space<vmem>>
      %dma_wait3A_198 = tpu.memref_squeeze %dma_wait3A_197 : memref<1x40xi32, #tpu.memory_space<vmem>> -> memref<40xi32, #tpu.memory_space<vmem>>
      %dma_wait3A_199 = arith.constant 0 : i32
      %dma_wait3A_200 = tpu.memref_slice %arg3[%dma_wait3A_199] : memref<320000xi32, #tpu.memory_space<hbm>> -> memref<40xi32, #tpu.memory_space<hbm>>
      %dma_wait3A_201 = arith.constant 0 : i32
      %dma_wait3A_202 = tpu.memref_slice %arg5[%dma_wait3A_195, %dma_wait3A_201] : memref<5x40xi32, #tpu.memory_space<vmem>> -> memref<1x40xi32, #tpu.memory_space<vmem>>
      %dma_wait3A_203 = tpu.memref_squeeze %dma_wait3A_202 : memref<1x40xi32, #tpu.memory_space<vmem>> -> memref<40xi32, #tpu.memory_space<vmem>>
      %dma_wait3A_204 = arith.constant 0 : i32
      %dma_wait3A_205 = tpu.memref_slice %arg3[%dma_wait3A_204] : memref<320000xi32, #tpu.memory_space<hbm>> -> memref<40xi32, #tpu.memory_space<hbm>>
      tpu.wait_dma2 semaphore(%arg9 : memref<!tpu.dma_semaphore, #tpu.memory_space<semaphore_mem>>) src(%dma_wait3A_205 : memref<40xi32, #tpu.memory_space<hbm>>) dst(%dma_wait3A_203 : memref<40xi32, #tpu.memory_space<vmem>>)
      %dma_wait3A_206 = arith.constant 1 : i32
      %dma_wait3A_207 = arith.constant 0 : i32
      %dma_wait3A_208 = arith.constant 0 : i32
      %dma_wait3A_209 = tpu.memref_slice %arg6[%dma_wait3A_206, %dma_wait3A_207, %dma_wait3A_208] : memref<5x40x128xf32, #tpu.memory_space<vmem>> -> memref<1x40x128xf32, #tpu.memory_space<vmem>>
      %dma_wait3A_210 = tpu.memref_squeeze %dma_wait3A_209 : memref<1x40x128xf32, #tpu.memory_space<vmem>> -> memref<40x128xf32, #tpu.memory_space<vmem>>
      %dma_wait3A_211 = arith.constant 0 : i32
      %dma_wait3A_212 = arith.constant 0 : i32
      %dma_wait3A_213 = tpu.memref_slice %arg2[%dma_wait3A_211, %dma_wait3A_212] : memref<320000x128xf32, #tpu.memory_space<hbm>> -> memref<40x128xf32, #tpu.memory_space<hbm>>
      %dma_wait3A_214 = arith.constant 0 : i32
      %dma_wait3A_215 = arith.constant 0 : i32
      %dma_wait3A_216 = tpu.memref_slice %arg6[%dma_wait3A_206, %dma_wait3A_214, %dma_wait3A_215] : memref<5x40x128xf32, #tpu.memory_space<vmem>> -> memref<1x40x128xf32, #tpu.memory_space<vmem>>
      %dma_wait3A_217 = tpu.memref_squeeze %dma_wait3A_216 : memref<1x40x128xf32, #tpu.memory_space<vmem>> -> memref<40x128xf32, #tpu.memory_space<vmem>>
      %dma_wait3A_218 = arith.constant 0 : i32
      %dma_wait3A_219 = arith.constant 0 : i32
      %dma_wait3A_220 = tpu.memref_slice %arg2[%dma_wait3A_218, %dma_wait3A_219] : memref<320000x128xf32, #tpu.memory_space<hbm>> -> memref<40x128xf32, #tpu.memory_space<hbm>>
      tpu.wait_dma2 semaphore(%arg9 : memref<!tpu.dma_semaphore, #tpu.memory_space<semaphore_mem>>) src(%dma_wait3A_220 : memref<40x128xf32, #tpu.memory_space<hbm>>) dst(%dma_wait3A_217 : memref<40x128xf32, #tpu.memory_space<vmem>>)
      %run_scoped3A_221 = arith.constant 1 : i32
      %run_scoped3A_222 = arith.constant 1 : i32
      "tpu.region"() ({
        %run_scoped3A_341 = tpu.sem_alloc : memref<!tpu.dma_semaphore, #tpu.memory_space<semaphore_mem>>
        %dma_start3A_342 = arith.constant 0 : i32
        %dma_start3A_343 = arith.constant 0 : i32
        %dma_start3A_344 = tpu.memref_slice %arg6[%run_scoped3A_221, %dma_start3A_342, %dma_start3A_343] : memref<5x40x128xf32, #tpu.memory_space<vmem>> -> memref<1x40x128xf32, #tpu.memory_space<vmem>>
        %dma_start3A_345 = tpu.memref_squeeze %dma_start3A_344 : memref<1x40x128xf32, #tpu.memory_space<vmem>> -> memref<40x128xf32, #tpu.memory_space<vmem>>
        %dma_start3A_346 = arith.constant 0 : i32
        %dma_start3A_347 = tpu.memref_slice %arg5[%run_scoped3A_222, %dma_start3A_346] : memref<5x40xi32, #tpu.memory_space<vmem>> -> memref<1x40xi32, #tpu.memory_space<vmem>>
        %dma_start3A_348 = tpu.memref_squeeze %dma_start3A_347 : memref<1x40xi32, #tpu.memory_space<vmem>> -> memref<40xi32, #tpu.memory_space<vmem>>
        %dma_start3A_349 = arith.constant 0 : i32
        %dma_start3A_350 = arith.constant 0 : i32
        %dma_start3A_351 = tpu.memref_slice %arg7[%dma_start3A_349, %dma_start3A_350] : memref<10000x128xf32, #tpu.memory_space<vmem_shared>> -> memref<10000x128xf32, #tpu.memory_space<vmem_shared>>
        tpu.enqueue_indirect_dma source(%dma_start3A_345 : memref<40x128xf32, #tpu.memory_space<vmem>>) target(%dma_start3A_351 : memref<10000x128xf32, #tpu.memory_space<vmem_shared>>) offsets(%dma_start3A_348 : memref<40xi32, #tpu.memory_space<vmem>>) semaphore(%run_scoped3A_341 : memref<!tpu.dma_semaphore, #tpu.memory_space<semaphore_mem>>) {add = true}
        %dma_wait3A_352 = arith.constant 0 : i32
        %dma_wait3A_353 = arith.constant 0 : i32
        %dma_wait3A_354 = tpu.memref_slice %arg6[%run_scoped3A_221, %dma_wait3A_352, %dma_wait3A_353] : memref<5x40x128xf32, #tpu.memory_space<vmem>> -> memref<1x40x128xf32, #tpu.memory_space<vmem>>
        %dma_wait3A_355 = tpu.memref_squeeze %dma_wait3A_354 : memref<1x40x128xf32, #tpu.memory_space<vmem>> -> memref<40x128xf32, #tpu.memory_space<vmem>>
        %dma_wait3A_356 = arith.constant 0 : i32
        %dma_wait3A_357 = tpu.memref_slice %arg5[%run_scoped3A_222, %dma_wait3A_356] : memref<5x40xi32, #tpu.memory_space<vmem>> -> memref<1x40xi32, #tpu.memory_space<vmem>>
        %dma_wait3A_358 = tpu.memref_squeeze %dma_wait3A_357 : memref<1x40xi32, #tpu.memory_space<vmem>> -> memref<40xi32, #tpu.memory_space<vmem>>
        %dma_wait3A_359 = arith.constant 0 : i32
        %dma_wait3A_360 = arith.constant 0 : i32
        %dma_wait3A_361 = tpu.memref_slice %arg7[%dma_wait3A_359, %dma_wait3A_360] : memref<10000x128xf32, #tpu.memory_space<vmem_shared>> -> memref<10000x128xf32, #tpu.memory_space<vmem_shared>>
        tpu.wait_indirect_dma semaphore(%run_scoped3A_341 : memref<!tpu.dma_semaphore, #tpu.memory_space<semaphore_mem>>) src(%dma_wait3A_355 : memref<40x128xf32, #tpu.memory_space<vmem>>) dst(%dma_wait3A_361 : memref<10000x128xf32, #tpu.memory_space<vmem_shared>>)
        tpu.yield
      }) : () -> ()
      %add3A_223 = arith.constant 5 : i32
      %add3A_224 = arith.addi %add3A_194, %add3A_223 : i32
      %lt3A_225 = arith.constant 250 : i32
      %lt3A_226 = arith.cmpi slt, %add3A_224, %lt3A_225 : i32
      %convert_element_type3A_227 = arith.extui %lt3A_226 : i1 to i32
      %cond3A_228 = arith.constant 0 : i32
      %cond3A_229 = arith.cmpi ne, %convert_element_type3A_227, %cond3A_228 : i32
      scf.if %cond3A_229 {
        %add3A_341 = arith.constant 5 : i32
        %add3A_342 = arith.addi %add3A_194, %add3A_341 : i32
        %mul3A_343 = arith.constant 40 : i32
        %mul3A_344 = arith.muli %add3A_342, %mul3A_343 : i32
        %add3A_345 = arith.addi %mul3A_16, %mul3A_344 : i32
        %dma_start3A_346 = arith.constant 1 : i32
        %dma_start3A_347 = arith.constant 0 : i32
        %dma_start3A_348 = tpu.memref_slice %arg5[%dma_start3A_346, %dma_start3A_347] : memref<5x40xi32, #tpu.memory_space<vmem>> -> memref<1x40xi32, #tpu.memory_space<vmem>>
        %dma_start3A_349 = tpu.memref_squeeze %dma_start3A_348 : memref<1x40xi32, #tpu.memory_space<vmem>> -> memref<40xi32, #tpu.memory_space<vmem>>
        %dma_start3A_350 = tpu.memref_slice %arg3[%add3A_345] : memref<320000xi32, #tpu.memory_space<hbm>> -> memref<40xi32, #tpu.memory_space<hbm>>
        %dma_start3A_351 = arith.constant 0 : i32
        %dma_start3A_352 = tpu.memref_slice %arg5[%dma_start3A_346, %dma_start3A_351] : memref<5x40xi32, #tpu.memory_space<vmem>> -> memref<1x40xi32, #tpu.memory_space<vmem>>
        %dma_start3A_353 = tpu.memref_squeeze %dma_start3A_352 : memref<1x40xi32, #tpu.memory_space<vmem>> -> memref<40xi32, #tpu.memory_space<vmem>>
        %dma_start3A_354 = tpu.memref_slice %arg3[%add3A_345] : memref<320000xi32, #tpu.memory_space<hbm>> -> memref<40xi32, #tpu.memory_space<hbm>>
        tpu.enqueue_dma source(%dma_start3A_354 : memref<40xi32, #tpu.memory_space<hbm>>) target(%dma_start3A_353 : memref<40xi32, #tpu.memory_space<vmem>>) target_semaphore(%arg9 : memref<!tpu.dma_semaphore, #tpu.memory_space<semaphore_mem>>)
        %dma_start3A_355 = arith.constant 1 : i32
        %dma_start3A_356 = arith.constant 0 : i32
        %dma_start3A_357 = arith.constant 0 : i32
        %dma_start3A_358 = tpu.memref_slice %arg6[%dma_start3A_355, %dma_start3A_356, %dma_start3A_357] : memref<5x40x128xf32, #tpu.memory_space<vmem>> -> memref<1x40x128xf32, #tpu.memory_space<vmem>>
        %dma_start3A_359 = tpu.memref_squeeze %dma_start3A_358 : memref<1x40x128xf32, #tpu.memory_space<vmem>> -> memref<40x128xf32, #tpu.memory_space<vmem>>
        %dma_start3A_360 = arith.constant 0 : i32
        %dma_start3A_361 = tpu.memref_slice %arg2[%add3A_345, %dma_start3A_360] : memref<320000x128xf32, #tpu.memory_space<hbm>> -> memref<40x128xf32, #tpu.memory_space<hbm>>
        %dma_start3A_362 = arith.constant 0 : i32
        %dma_start3A_363 = arith.constant 0 : i32
        %dma_start3A_364 = tpu.memref_slice %arg6[%dma_start3A_355, %dma_start3A_362, %dma_start3A_363] : memref<5x40x128xf32, #tpu.memory_space<vmem>> -> memref<1x40x128xf32, #tpu.memory_space<vmem>>
        %dma_start3A_365 = tpu.memref_squeeze %dma_start3A_364 : memref<1x40x128xf32, #tpu.memory_space<vmem>> -> memref<40x128xf32, #tpu.memory_space<vmem>>
        %dma_start3A_366 = arith.constant 0 : i32
        %dma_start3A_367 = tpu.memref_slice %arg2[%add3A_345, %dma_start3A_366] : memref<320000x128xf32, #tpu.memory_space<hbm>> -> memref<40x128xf32, #tpu.memory_space<hbm>>
        tpu.enqueue_dma source(%dma_start3A_367 : memref<40x128xf32, #tpu.memory_space<hbm>>) target(%dma_start3A_365 : memref<40x128xf32, #tpu.memory_space<vmem>>) target_semaphore(%arg9 : memref<!tpu.dma_semaphore, #tpu.memory_space<semaphore_mem>>)
      } else {
      }
      %add3A_230 = arith.constant 2 : i32
      %add3A_231 = arith.addi %add3A_160, %add3A_230 : i32
      %dma_wait3A_232 = arith.constant 2 : i32
      %dma_wait3A_233 = arith.constant 0 : i32
      %dma_wait3A_234 = tpu.memref_slice %arg5[%dma_wait3A_232, %dma_wait3A_233] : memref<5x40xi32, #tpu.memory_space<vmem>> -> memref<1x40xi32, #tpu.memory_space<vmem>>
      %dma_wait3A_235 = tpu.memref_squeeze %dma_wait3A_234 : memref<1x40xi32, #tpu.memory_space<vmem>> -> memref<40xi32, #tpu.memory_space<vmem>>
      %dma_wait3A_236 = arith.constant 0 : i32
      %dma_wait3A_237 = tpu.memref_slice %arg3[%dma_wait3A_236] : memref<320000xi32, #tpu.memory_space<hbm>> -> memref<40xi32, #tpu.memory_space<hbm>>
      %dma_wait3A_238 = arith.constant 0 : i32
      %dma_wait3A_239 = tpu.memref_slice %arg5[%dma_wait3A_232, %dma_wait3A_238] : memref<5x40xi32, #tpu.memory_space<vmem>> -> memref<1x40xi32, #tpu.memory_space<vmem>>
      %dma_wait3A_240 = tpu.memref_squeeze %dma_wait3A_239 : memref<1x40xi32, #tpu.memory_space<vmem>> -> memref<40xi32, #tpu.memory_space<vmem>>
      %dma_wait3A_241 = arith.constant 0 : i32
      %dma_wait3A_242 = tpu.memref_slice %arg3[%dma_wait3A_241] : memref<320000xi32, #tpu.memory_space<hbm>> -> memref<40xi32, #tpu.memory_space<hbm>>
      tpu.wait_dma2 semaphore(%arg10 : memref<!tpu.dma_semaphore, #tpu.memory_space<semaphore_mem>>) src(%dma_wait3A_242 : memref<40xi32, #tpu.memory_space<hbm>>) dst(%dma_wait3A_240 : memref<40xi32, #tpu.memory_space<vmem>>)
      %dma_wait3A_243 = arith.constant 2 : i32
      %dma_wait3A_244 = arith.constant 0 : i32
      %dma_wait3A_245 = arith.constant 0 : i32
      %dma_wait3A_246 = tpu.memref_slice %arg6[%dma_wait3A_243, %dma_wait3A_244, %dma_wait3A_245] : memref<5x40x128xf32, #tpu.memory_space<vmem>> -> memref<1x40x128xf32, #tpu.memory_space<vmem>>
      %dma_wait3A_247 = tpu.memref_squeeze %dma_wait3A_246 : memref<1x40x128xf32, #tpu.memory_space<vmem>> -> memref<40x128xf32, #tpu.memory_space<vmem>>
      %dma_wait3A_248 = arith.constant 0 : i32
      %dma_wait3A_249 = arith.constant 0 : i32
      %dma_wait3A_250 = tpu.memref_slice %arg2[%dma_wait3A_248, %dma_wait3A_249] : memref<320000x128xf32, #tpu.memory_space<hbm>> -> memref<40x128xf32, #tpu.memory_space<hbm>>
      %dma_wait3A_251 = arith.constant 0 : i32
      %dma_wait3A_252 = arith.constant 0 : i32
      %dma_wait3A_253 = tpu.memref_slice %arg6[%dma_wait3A_243, %dma_wait3A_251, %dma_wait3A_252] : memref<5x40x128xf32, #tpu.memory_space<vmem>> -> memref<1x40x128xf32, #tpu.memory_space<vmem>>
      %dma_wait3A_254 = tpu.memref_squeeze %dma_wait3A_253 : memref<1x40x128xf32, #tpu.memory_space<vmem>> -> memref<40x128xf32, #tpu.memory_space<vmem>>
      %dma_wait3A_255 = arith.constant 0 : i32
      %dma_wait3A_256 = arith.constant 0 : i32
      %dma_wait3A_257 = tpu.memref_slice %arg2[%dma_wait3A_255, %dma_wait3A_256] : memref<320000x128xf32, #tpu.memory_space<hbm>> -> memref<40x128xf32, #tpu.memory_space<hbm>>
      tpu.wait_dma2 semaphore(%arg10 : memref<!tpu.dma_semaphore, #tpu.memory_space<semaphore_mem>>) src(%dma_wait3A_257 : memref<40x128xf32, #tpu.memory_space<hbm>>) dst(%dma_wait3A_254 : memref<40x128xf32, #tpu.memory_space<vmem>>)
      %run_scoped3A_258 = arith.constant 2 : i32
      %run_scoped3A_259 = arith.constant 2 : i32
      "tpu.region"() ({
        %run_scoped3A_341 = tpu.sem_alloc : memref<!tpu.dma_semaphore, #tpu.memory_space<semaphore_mem>>
        %dma_start3A_342 = arith.constant 0 : i32
        %dma_start3A_343 = arith.constant 0 : i32
        %dma_start3A_344 = tpu.memref_slice %arg6[%run_scoped3A_258, %dma_start3A_342, %dma_start3A_343] : memref<5x40x128xf32, #tpu.memory_space<vmem>> -> memref<1x40x128xf32, #tpu.memory_space<vmem>>
        %dma_start3A_345 = tpu.memref_squeeze %dma_start3A_344 : memref<1x40x128xf32, #tpu.memory_space<vmem>> -> memref<40x128xf32, #tpu.memory_space<vmem>>
        %dma_start3A_346 = arith.constant 0 : i32
        %dma_start3A_347 = tpu.memref_slice %arg5[%run_scoped3A_259, %dma_start3A_346] : memref<5x40xi32, #tpu.memory_space<vmem>> -> memref<1x40xi32, #tpu.memory_space<vmem>>
        %dma_start3A_348 = tpu.memref_squeeze %dma_start3A_347 : memref<1x40xi32, #tpu.memory_space<vmem>> -> memref<40xi32, #tpu.memory_space<vmem>>
        %dma_start3A_349 = arith.constant 0 : i32
        %dma_start3A_350 = arith.constant 0 : i32
        %dma_start3A_351 = tpu.memref_slice %arg7[%dma_start3A_349, %dma_start3A_350] : memref<10000x128xf32, #tpu.memory_space<vmem_shared>> -> memref<10000x128xf32, #tpu.memory_space<vmem_shared>>
        tpu.enqueue_indirect_dma source(%dma_start3A_345 : memref<40x128xf32, #tpu.memory_space<vmem>>) target(%dma_start3A_351 : memref<10000x128xf32, #tpu.memory_space<vmem_shared>>) offsets(%dma_start3A_348 : memref<40xi32, #tpu.memory_space<vmem>>) semaphore(%run_scoped3A_341 : memref<!tpu.dma_semaphore, #tpu.memory_space<semaphore_mem>>) {add = true}
        %dma_wait3A_352 = arith.constant 0 : i32
        %dma_wait3A_353 = arith.constant 0 : i32
        %dma_wait3A_354 = tpu.memref_slice %arg6[%run_scoped3A_258, %dma_wait3A_352, %dma_wait3A_353] : memref<5x40x128xf32, #tpu.memory_space<vmem>> -> memref<1x40x128xf32, #tpu.memory_space<vmem>>
        %dma_wait3A_355 = tpu.memref_squeeze %dma_wait3A_354 : memref<1x40x128xf32, #tpu.memory_space<vmem>> -> memref<40x128xf32, #tpu.memory_space<vmem>>
        %dma_wait3A_356 = arith.constant 0 : i32
        %dma_wait3A_357 = tpu.memref_slice %arg5[%run_scoped3A_259, %dma_wait3A_356] : memref<5x40xi32, #tpu.memory_space<vmem>> -> memref<1x40xi32, #tpu.memory_space<vmem>>
        %dma_wait3A_358 = tpu.memref_squeeze %dma_wait3A_357 : memref<1x40xi32, #tpu.memory_space<vmem>> -> memref<40xi32, #tpu.memory_space<vmem>>
        %dma_wait3A_359 = arith.constant 0 : i32
        %dma_wait3A_360 = arith.constant 0 : i32
        %dma_wait3A_361 = tpu.memref_slice %arg7[%dma_wait3A_359, %dma_wait3A_360] : memref<10000x128xf32, #tpu.memory_space<vmem_shared>> -> memref<10000x128xf32, #tpu.memory_space<vmem_shared>>
        tpu.wait_indirect_dma semaphore(%run_scoped3A_341 : memref<!tpu.dma_semaphore, #tpu.memory_space<semaphore_mem>>) src(%dma_wait3A_355 : memref<40x128xf32, #tpu.memory_space<vmem>>) dst(%dma_wait3A_361 : memref<10000x128xf32, #tpu.memory_space<vmem_shared>>)
        tpu.yield
      }) : () -> ()
      %add3A_260 = arith.constant 5 : i32
      %add3A_261 = arith.addi %add3A_231, %add3A_260 : i32
      %lt3A_262 = arith.constant 250 : i32
      %lt3A_263 = arith.cmpi slt, %add3A_261, %lt3A_262 : i32
      %convert_element_type3A_264 = arith.extui %lt3A_263 : i1 to i32
      %cond3A_265 = arith.constant 0 : i32
      %cond3A_266 = arith.cmpi ne, %convert_element_type3A_264, %cond3A_265 : i32
      scf.if %cond3A_266 {
        %add3A_341 = arith.constant 5 : i32
        %add3A_342 = arith.addi %add3A_231, %add3A_341 : i32
        %mul3A_343 = arith.constant 40 : i32
        %mul3A_344 = arith.muli %add3A_342, %mul3A_343 : i32
        %add3A_345 = arith.addi %mul3A_16, %mul3A_344 : i32
        %dma_start3A_346 = arith.constant 2 : i32
        %dma_start3A_347 = arith.constant 0 : i32
        %dma_start3A_348 = tpu.memref_slice %arg5[%dma_start3A_346, %dma_start3A_347] : memref<5x40xi32, #tpu.memory_space<vmem>> -> memref<1x40xi32, #tpu.memory_space<vmem>>
        %dma_start3A_349 = tpu.memref_squeeze %dma_start3A_348 : memref<1x40xi32, #tpu.memory_space<vmem>> -> memref<40xi32, #tpu.memory_space<vmem>>
        %dma_start3A_350 = tpu.memref_slice %arg3[%add3A_345] : memref<320000xi32, #tpu.memory_space<hbm>> -> memref<40xi32, #tpu.memory_space<hbm>>
        %dma_start3A_351 = arith.constant 0 : i32
        %dma_start3A_352 = tpu.memref_slice %arg5[%dma_start3A_346, %dma_start3A_351] : memref<5x40xi32, #tpu.memory_space<vmem>> -> memref<1x40xi32, #tpu.memory_space<vmem>>
        %dma_start3A_353 = tpu.memref_squeeze %dma_start3A_352 : memref<1x40xi32, #tpu.memory_space<vmem>> -> memref<40xi32, #tpu.memory_space<vmem>>
        %dma_start3A_354 = tpu.memref_slice %arg3[%add3A_345] : memref<320000xi32, #tpu.memory_space<hbm>> -> memref<40xi32, #tpu.memory_space<hbm>>
        tpu.enqueue_dma source(%dma_start3A_354 : memref<40xi32, #tpu.memory_space<hbm>>) target(%dma_start3A_353 : memref<40xi32, #tpu.memory_space<vmem>>) target_semaphore(%arg10 : memref<!tpu.dma_semaphore, #tpu.memory_space<semaphore_mem>>)
        %dma_start3A_355 = arith.constant 2 : i32
        %dma_start3A_356 = arith.constant 0 : i32
        %dma_start3A_357 = arith.constant 0 : i32
        %dma_start3A_358 = tpu.memref_slice %arg6[%dma_start3A_355, %dma_start3A_356, %dma_start3A_357] : memref<5x40x128xf32, #tpu.memory_space<vmem>> -> memref<1x40x128xf32, #tpu.memory_space<vmem>>
        %dma_start3A_359 = tpu.memref_squeeze %dma_start3A_358 : memref<1x40x128xf32, #tpu.memory_space<vmem>> -> memref<40x128xf32, #tpu.memory_space<vmem>>
        %dma_start3A_360 = arith.constant 0 : i32
        %dma_start3A_361 = tpu.memref_slice %arg2[%add3A_345, %dma_start3A_360] : memref<320000x128xf32, #tpu.memory_space<hbm>> -> memref<40x128xf32, #tpu.memory_space<hbm>>
        %dma_start3A_362 = arith.constant 0 : i32
        %dma_start3A_363 = arith.constant 0 : i32
        %dma_start3A_364 = tpu.memref_slice %arg6[%dma_start3A_355, %dma_start3A_362, %dma_start3A_363] : memref<5x40x128xf32, #tpu.memory_space<vmem>> -> memref<1x40x128xf32, #tpu.memory_space<vmem>>
        %dma_start3A_365 = tpu.memref_squeeze %dma_start3A_364 : memref<1x40x128xf32, #tpu.memory_space<vmem>> -> memref<40x128xf32, #tpu.memory_space<vmem>>
        %dma_start3A_366 = arith.constant 0 : i32
        %dma_start3A_367 = tpu.memref_slice %arg2[%add3A_345, %dma_start3A_366] : memref<320000x128xf32, #tpu.memory_space<hbm>> -> memref<40x128xf32, #tpu.memory_space<hbm>>
        tpu.enqueue_dma source(%dma_start3A_367 : memref<40x128xf32, #tpu.memory_space<hbm>>) target(%dma_start3A_365 : memref<40x128xf32, #tpu.memory_space<vmem>>) target_semaphore(%arg10 : memref<!tpu.dma_semaphore, #tpu.memory_space<semaphore_mem>>)
      } else {
      }
      %add3A_267 = arith.constant 3 : i32
      %add3A_268 = arith.addi %add3A_160, %add3A_267 : i32
      %dma_wait3A_269 = arith.constant 3 : i32
      %dma_wait3A_270 = arith.constant 0 : i32
      %dma_wait3A_271 = tpu.memref_slice %arg5[%dma_wait3A_269, %dma_wait3A_270] : memref<5x40xi32, #tpu.memory_space<vmem>> -> memref<1x40xi32, #tpu.memory_space<vmem>>
      %dma_wait3A_272 = tpu.memref_squeeze %dma_wait3A_271 : memref<1x40xi32, #tpu.memory_space<vmem>> -> memref<40xi32, #tpu.memory_space<vmem>>
      %dma_wait3A_273 = arith.constant 0 : i32
      %dma_wait3A_274 = tpu.memref_slice %arg3[%dma_wait3A_273] : memref<320000xi32, #tpu.memory_space<hbm>> -> memref<40xi32, #tpu.memory_space<hbm>>
      %dma_wait3A_275 = arith.constant 0 : i32
      %dma_wait3A_276 = tpu.memref_slice %arg5[%dma_wait3A_269, %dma_wait3A_275] : memref<5x40xi32, #tpu.memory_space<vmem>> -> memref<1x40xi32, #tpu.memory_space<vmem>>
      %dma_wait3A_277 = tpu.memref_squeeze %dma_wait3A_276 : memref<1x40xi32, #tpu.memory_space<vmem>> -> memref<40xi32, #tpu.memory_space<vmem>>
      %dma_wait3A_278 = arith.constant 0 : i32
      %dma_wait3A_279 = tpu.memref_slice %arg3[%dma_wait3A_278] : memref<320000xi32, #tpu.memory_space<hbm>> -> memref<40xi32, #tpu.memory_space<hbm>>
      tpu.wait_dma2 semaphore(%arg11 : memref<!tpu.dma_semaphore, #tpu.memory_space<semaphore_mem>>) src(%dma_wait3A_279 : memref<40xi32, #tpu.memory_space<hbm>>) dst(%dma_wait3A_277 : memref<40xi32, #tpu.memory_space<vmem>>)
      %dma_wait3A_280 = arith.constant 3 : i32
      %dma_wait3A_281 = arith.constant 0 : i32
      %dma_wait3A_282 = arith.constant 0 : i32
      %dma_wait3A_283 = tpu.memref_slice %arg6[%dma_wait3A_280, %dma_wait3A_281, %dma_wait3A_282] : memref<5x40x128xf32, #tpu.memory_space<vmem>> -> memref<1x40x128xf32, #tpu.memory_space<vmem>>
      %dma_wait3A_284 = tpu.memref_squeeze %dma_wait3A_283 : memref<1x40x128xf32, #tpu.memory_space<vmem>> -> memref<40x128xf32, #tpu.memory_space<vmem>>
      %dma_wait3A_285 = arith.constant 0 : i32
      %dma_wait3A_286 = arith.constant 0 : i32
      %dma_wait3A_287 = tpu.memref_slice %arg2[%dma_wait3A_285, %dma_wait3A_286] : memref<320000x128xf32, #tpu.memory_space<hbm>> -> memref<40x128xf32, #tpu.memory_space<hbm>>
      %dma_wait3A_288 = arith.constant 0 : i32
      %dma_wait3A_289 = arith.constant 0 : i32
      %dma_wait3A_290 = tpu.memref_slice %arg6[%dma_wait3A_280, %dma_wait3A_288, %dma_wait3A_289] : memref<5x40x128xf32, #tpu.memory_space<vmem>> -> memref<1x40x128xf32, #tpu.memory_space<vmem>>
      %dma_wait3A_291 = tpu.memref_squeeze %dma_wait3A_290 : memref<1x40x128xf32, #tpu.memory_space<vmem>> -> memref<40x128xf32, #tpu.memory_space<vmem>>
      %dma_wait3A_292 = arith.constant 0 : i32
      %dma_wait3A_293 = arith.constant 0 : i32
      %dma_wait3A_294 = tpu.memref_slice %arg2[%dma_wait3A_292, %dma_wait3A_293] : memref<320000x128xf32, #tpu.memory_space<hbm>> -> memref<40x128xf32, #tpu.memory_space<hbm>>
      tpu.wait_dma2 semaphore(%arg11 : memref<!tpu.dma_semaphore, #tpu.memory_space<semaphore_mem>>) src(%dma_wait3A_294 : memref<40x128xf32, #tpu.memory_space<hbm>>) dst(%dma_wait3A_291 : memref<40x128xf32, #tpu.memory_space<vmem>>)
      %run_scoped3A_295 = arith.constant 3 : i32
      %run_scoped3A_296 = arith.constant 3 : i32
      "tpu.region"() ({
        %run_scoped3A_341 = tpu.sem_alloc : memref<!tpu.dma_semaphore, #tpu.memory_space<semaphore_mem>>
        %dma_start3A_342 = arith.constant 0 : i32
        %dma_start3A_343 = arith.constant 0 : i32
        %dma_start3A_344 = tpu.memref_slice %arg6[%run_scoped3A_295, %dma_start3A_342, %dma_start3A_343] : memref<5x40x128xf32, #tpu.memory_space<vmem>> -> memref<1x40x128xf32, #tpu.memory_space<vmem>>
        %dma_start3A_345 = tpu.memref_squeeze %dma_start3A_344 : memref<1x40x128xf32, #tpu.memory_space<vmem>> -> memref<40x128xf32, #tpu.memory_space<vmem>>
        %dma_start3A_346 = arith.constant 0 : i32
        %dma_start3A_347 = tpu.memref_slice %arg5[%run_scoped3A_296, %dma_start3A_346] : memref<5x40xi32, #tpu.memory_space<vmem>> -> memref<1x40xi32, #tpu.memory_space<vmem>>
        %dma_start3A_348 = tpu.memref_squeeze %dma_start3A_347 : memref<1x40xi32, #tpu.memory_space<vmem>> -> memref<40xi32, #tpu.memory_space<vmem>>
        %dma_start3A_349 = arith.constant 0 : i32
        %dma_start3A_350 = arith.constant 0 : i32
        %dma_start3A_351 = tpu.memref_slice %arg7[%dma_start3A_349, %dma_start3A_350] : memref<10000x128xf32, #tpu.memory_space<vmem_shared>> -> memref<10000x128xf32, #tpu.memory_space<vmem_shared>>
        tpu.enqueue_indirect_dma source(%dma_start3A_345 : memref<40x128xf32, #tpu.memory_space<vmem>>) target(%dma_start3A_351 : memref<10000x128xf32, #tpu.memory_space<vmem_shared>>) offsets(%dma_start3A_348 : memref<40xi32, #tpu.memory_space<vmem>>) semaphore(%run_scoped3A_341 : memref<!tpu.dma_semaphore, #tpu.memory_space<semaphore_mem>>) {add = true}
        %dma_wait3A_352 = arith.constant 0 : i32
        %dma_wait3A_353 = arith.constant 0 : i32
        %dma_wait3A_354 = tpu.memref_slice %arg6[%run_scoped3A_295, %dma_wait3A_352, %dma_wait3A_353] : memref<5x40x128xf32, #tpu.memory_space<vmem>> -> memref<1x40x128xf32, #tpu.memory_space<vmem>>
        %dma_wait3A_355 = tpu.memref_squeeze %dma_wait3A_354 : memref<1x40x128xf32, #tpu.memory_space<vmem>> -> memref<40x128xf32, #tpu.memory_space<vmem>>
        %dma_wait3A_356 = arith.constant 0 : i32
        %dma_wait3A_357 = tpu.memref_slice %arg5[%run_scoped3A_296, %dma_wait3A_356] : memref<5x40xi32, #tpu.memory_space<vmem>> -> memref<1x40xi32, #tpu.memory_space<vmem>>
        %dma_wait3A_358 = tpu.memref_squeeze %dma_wait3A_357 : memref<1x40xi32, #tpu.memory_space<vmem>> -> memref<40xi32, #tpu.memory_space<vmem>>
        %dma_wait3A_359 = arith.constant 0 : i32
        %dma_wait3A_360 = arith.constant 0 : i32
        %dma_wait3A_361 = tpu.memref_slice %arg7[%dma_wait3A_359, %dma_wait3A_360] : memref<10000x128xf32, #tpu.memory_space<vmem_shared>> -> memref<10000x128xf32, #tpu.memory_space<vmem_shared>>
        tpu.wait_indirect_dma semaphore(%run_scoped3A_341 : memref<!tpu.dma_semaphore, #tpu.memory_space<semaphore_mem>>) src(%dma_wait3A_355 : memref<40x128xf32, #tpu.memory_space<vmem>>) dst(%dma_wait3A_361 : memref<10000x128xf32, #tpu.memory_space<vmem_shared>>)
        tpu.yield
      }) : () -> ()
      %add3A_297 = arith.constant 5 : i32
      %add3A_298 = arith.addi %add3A_268, %add3A_297 : i32
      %lt3A_299 = arith.constant 250 : i32
      %lt3A_300 = arith.cmpi slt, %add3A_298, %lt3A_299 : i32
      %convert_element_type3A_301 = arith.extui %lt3A_300 : i1 to i32
      %cond3A_302 = arith.constant 0 : i32
      %cond3A_303 = arith.cmpi ne, %convert_element_type3A_301, %cond3A_302 : i32
      scf.if %cond3A_303 {
        %add3A_341 = arith.constant 5 : i32
        %add3A_342 = arith.addi %add3A_268, %add3A_341 : i32
        %mul3A_343 = arith.constant 40 : i32
        %mul3A_344 = arith.muli %add3A_342, %mul3A_343 : i32
        %add3A_345 = arith.addi %mul3A_16, %mul3A_344 : i32
        %dma_start3A_346 = arith.constant 3 : i32
        %dma_start3A_347 = arith.constant 0 : i32
        %dma_start3A_348 = tpu.memref_slice %arg5[%dma_start3A_346, %dma_start3A_347] : memref<5x40xi32, #tpu.memory_space<vmem>> -> memref<1x40xi32, #tpu.memory_space<vmem>>
        %dma_start3A_349 = tpu.memref_squeeze %dma_start3A_348 : memref<1x40xi32, #tpu.memory_space<vmem>> -> memref<40xi32, #tpu.memory_space<vmem>>
        %dma_start3A_350 = tpu.memref_slice %arg3[%add3A_345] : memref<320000xi32, #tpu.memory_space<hbm>> -> memref<40xi32, #tpu.memory_space<hbm>>
        %dma_start3A_351 = arith.constant 0 : i32
        %dma_start3A_352 = tpu.memref_slice %arg5[%dma_start3A_346, %dma_start3A_351] : memref<5x40xi32, #tpu.memory_space<vmem>> -> memref<1x40xi32, #tpu.memory_space<vmem>>
        %dma_start3A_353 = tpu.memref_squeeze %dma_start3A_352 : memref<1x40xi32, #tpu.memory_space<vmem>> -> memref<40xi32, #tpu.memory_space<vmem>>
        %dma_start3A_354 = tpu.memref_slice %arg3[%add3A_345] : memref<320000xi32, #tpu.memory_space<hbm>> -> memref<40xi32, #tpu.memory_space<hbm>>
        tpu.enqueue_dma source(%dma_start3A_354 : memref<40xi32, #tpu.memory_space<hbm>>) target(%dma_start3A_353 : memref<40xi32, #tpu.memory_space<vmem>>) target_semaphore(%arg11 : memref<!tpu.dma_semaphore, #tpu.memory_space<semaphore_mem>>)
        %dma_start3A_355 = arith.constant 3 : i32
        %dma_start3A_356 = arith.constant 0 : i32
        %dma_start3A_357 = arith.constant 0 : i32
        %dma_start3A_358 = tpu.memref_slice %arg6[%dma_start3A_355, %dma_start3A_356, %dma_start3A_357] : memref<5x40x128xf32, #tpu.memory_space<vmem>> -> memref<1x40x128xf32, #tpu.memory_space<vmem>>
        %dma_start3A_359 = tpu.memref_squeeze %dma_start3A_358 : memref<1x40x128xf32, #tpu.memory_space<vmem>> -> memref<40x128xf32, #tpu.memory_space<vmem>>
        %dma_start3A_360 = arith.constant 0 : i32
        %dma_start3A_361 = tpu.memref_slice %arg2[%add3A_345, %dma_start3A_360] : memref<320000x128xf32, #tpu.memory_space<hbm>> -> memref<40x128xf32, #tpu.memory_space<hbm>>
        %dma_start3A_362 = arith.constant 0 : i32
        %dma_start3A_363 = arith.constant 0 : i32
        %dma_start3A_364 = tpu.memref_slice %arg6[%dma_start3A_355, %dma_start3A_362, %dma_start3A_363] : memref<5x40x128xf32, #tpu.memory_space<vmem>> -> memref<1x40x128xf32, #tpu.memory_space<vmem>>
        %dma_start3A_365 = tpu.memref_squeeze %dma_start3A_364 : memref<1x40x128xf32, #tpu.memory_space<vmem>> -> memref<40x128xf32, #tpu.memory_space<vmem>>
        %dma_start3A_366 = arith.constant 0 : i32
        %dma_start3A_367 = tpu.memref_slice %arg2[%add3A_345, %dma_start3A_366] : memref<320000x128xf32, #tpu.memory_space<hbm>> -> memref<40x128xf32, #tpu.memory_space<hbm>>
        tpu.enqueue_dma source(%dma_start3A_367 : memref<40x128xf32, #tpu.memory_space<hbm>>) target(%dma_start3A_365 : memref<40x128xf32, #tpu.memory_space<vmem>>) target_semaphore(%arg11 : memref<!tpu.dma_semaphore, #tpu.memory_space<semaphore_mem>>)
      } else {
      }
      %add3A_304 = arith.constant 4 : i32
      %add3A_305 = arith.addi %add3A_160, %add3A_304 : i32
      %dma_wait3A_306 = arith.constant 4 : i32
      %dma_wait3A_307 = arith.constant 0 : i32
      %dma_wait3A_308 = tpu.memref_slice %arg5[%dma_wait3A_306, %dma_wait3A_307] : memref<5x40xi32, #tpu.memory_space<vmem>> -> memref<1x40xi32, #tpu.memory_space<vmem>>
      %dma_wait3A_309 = tpu.memref_squeeze %dma_wait3A_308 : memref<1x40xi32, #tpu.memory_space<vmem>> -> memref<40xi32, #tpu.memory_space<vmem>>
      %dma_wait3A_310 = arith.constant 0 : i32
      %dma_wait3A_311 = tpu.memref_slice %arg3[%dma_wait3A_310] : memref<320000xi32, #tpu.memory_space<hbm>> -> memref<40xi32, #tpu.memory_space<hbm>>
      %dma_wait3A_312 = arith.constant 0 : i32
      %dma_wait3A_313 = tpu.memref_slice %arg5[%dma_wait3A_306, %dma_wait3A_312] : memref<5x40xi32, #tpu.memory_space<vmem>> -> memref<1x40xi32, #tpu.memory_space<vmem>>
      %dma_wait3A_314 = tpu.memref_squeeze %dma_wait3A_313 : memref<1x40xi32, #tpu.memory_space<vmem>> -> memref<40xi32, #tpu.memory_space<vmem>>
      %dma_wait3A_315 = arith.constant 0 : i32
      %dma_wait3A_316 = tpu.memref_slice %arg3[%dma_wait3A_315] : memref<320000xi32, #tpu.memory_space<hbm>> -> memref<40xi32, #tpu.memory_space<hbm>>
      tpu.wait_dma2 semaphore(%arg12 : memref<!tpu.dma_semaphore, #tpu.memory_space<semaphore_mem>>) src(%dma_wait3A_316 : memref<40xi32, #tpu.memory_space<hbm>>) dst(%dma_wait3A_314 : memref<40xi32, #tpu.memory_space<vmem>>)
      %dma_wait3A_317 = arith.constant 4 : i32
      %dma_wait3A_318 = arith.constant 0 : i32
      %dma_wait3A_319 = arith.constant 0 : i32
      %dma_wait3A_320 = tpu.memref_slice %arg6[%dma_wait3A_317, %dma_wait3A_318, %dma_wait3A_319] : memref<5x40x128xf32, #tpu.memory_space<vmem>> -> memref<1x40x128xf32, #tpu.memory_space<vmem>>
      %dma_wait3A_321 = tpu.memref_squeeze %dma_wait3A_320 : memref<1x40x128xf32, #tpu.memory_space<vmem>> -> memref<40x128xf32, #tpu.memory_space<vmem>>
      %dma_wait3A_322 = arith.constant 0 : i32
      %dma_wait3A_323 = arith.constant 0 : i32
      %dma_wait3A_324 = tpu.memref_slice %arg2[%dma_wait3A_322, %dma_wait3A_323] : memref<320000x128xf32, #tpu.memory_space<hbm>> -> memref<40x128xf32, #tpu.memory_space<hbm>>
      %dma_wait3A_325 = arith.constant 0 : i32
      %dma_wait3A_326 = arith.constant 0 : i32
      %dma_wait3A_327 = tpu.memref_slice %arg6[%dma_wait3A_317, %dma_wait3A_325, %dma_wait3A_326] : memref<5x40x128xf32, #tpu.memory_space<vmem>> -> memref<1x40x128xf32, #tpu.memory_space<vmem>>
      %dma_wait3A_328 = tpu.memref_squeeze %dma_wait3A_327 : memref<1x40x128xf32, #tpu.memory_space<vmem>> -> memref<40x128xf32, #tpu.memory_space<vmem>>
      %dma_wait3A_329 = arith.constant 0 : i32
      %dma_wait3A_330 = arith.constant 0 : i32
      %dma_wait3A_331 = tpu.memref_slice %arg2[%dma_wait3A_329, %dma_wait3A_330] : memref<320000x128xf32, #tpu.memory_space<hbm>> -> memref<40x128xf32, #tpu.memory_space<hbm>>
      tpu.wait_dma2 semaphore(%arg12 : memref<!tpu.dma_semaphore, #tpu.memory_space<semaphore_mem>>) src(%dma_wait3A_331 : memref<40x128xf32, #tpu.memory_space<hbm>>) dst(%dma_wait3A_328 : memref<40x128xf32, #tpu.memory_space<vmem>>)
      %run_scoped3A_332 = arith.constant 4 : i32
      %run_scoped3A_333 = arith.constant 4 : i32
      "tpu.region"() ({
        %run_scoped3A_341 = tpu.sem_alloc : memref<!tpu.dma_semaphore, #tpu.memory_space<semaphore_mem>>
        %dma_start3A_342 = arith.constant 0 : i32
        %dma_start3A_343 = arith.constant 0 : i32
        %dma_start3A_344 = tpu.memref_slice %arg6[%run_scoped3A_332, %dma_start3A_342, %dma_start3A_343] : memref<5x40x128xf32, #tpu.memory_space<vmem>> -> memref<1x40x128xf32, #tpu.memory_space<vmem>>
        %dma_start3A_345 = tpu.memref_squeeze %dma_start3A_344 : memref<1x40x128xf32, #tpu.memory_space<vmem>> -> memref<40x128xf32, #tpu.memory_space<vmem>>
        %dma_start3A_346 = arith.constant 0 : i32
        %dma_start3A_347 = tpu.memref_slice %arg5[%run_scoped3A_333, %dma_start3A_346] : memref<5x40xi32, #tpu.memory_space<vmem>> -> memref<1x40xi32, #tpu.memory_space<vmem>>
        %dma_start3A_348 = tpu.memref_squeeze %dma_start3A_347 : memref<1x40xi32, #tpu.memory_space<vmem>> -> memref<40xi32, #tpu.memory_space<vmem>>
        %dma_start3A_349 = arith.constant 0 : i32
        %dma_start3A_350 = arith.constant 0 : i32
        %dma_start3A_351 = tpu.memref_slice %arg7[%dma_start3A_349, %dma_start3A_350] : memref<10000x128xf32, #tpu.memory_space<vmem_shared>> -> memref<10000x128xf32, #tpu.memory_space<vmem_shared>>
        tpu.enqueue_indirect_dma source(%dma_start3A_345 : memref<40x128xf32, #tpu.memory_space<vmem>>) target(%dma_start3A_351 : memref<10000x128xf32, #tpu.memory_space<vmem_shared>>) offsets(%dma_start3A_348 : memref<40xi32, #tpu.memory_space<vmem>>) semaphore(%run_scoped3A_341 : memref<!tpu.dma_semaphore, #tpu.memory_space<semaphore_mem>>) {add = true}
        %dma_wait3A_352 = arith.constant 0 : i32
        %dma_wait3A_353 = arith.constant 0 : i32
        %dma_wait3A_354 = tpu.memref_slice %arg6[%run_scoped3A_332, %dma_wait3A_352, %dma_wait3A_353] : memref<5x40x128xf32, #tpu.memory_space<vmem>> -> memref<1x40x128xf32, #tpu.memory_space<vmem>>
        %dma_wait3A_355 = tpu.memref_squeeze %dma_wait3A_354 : memref<1x40x128xf32, #tpu.memory_space<vmem>> -> memref<40x128xf32, #tpu.memory_space<vmem>>
        %dma_wait3A_356 = arith.constant 0 : i32
        %dma_wait3A_357 = tpu.memref_slice %arg5[%run_scoped3A_333, %dma_wait3A_356] : memref<5x40xi32, #tpu.memory_space<vmem>> -> memref<1x40xi32, #tpu.memory_space<vmem>>
        %dma_wait3A_358 = tpu.memref_squeeze %dma_wait3A_357 : memref<1x40xi32, #tpu.memory_space<vmem>> -> memref<40xi32, #tpu.memory_space<vmem>>
        %dma_wait3A_359 = arith.constant 0 : i32
        %dma_wait3A_360 = arith.constant 0 : i32
        %dma_wait3A_361 = tpu.memref_slice %arg7[%dma_wait3A_359, %dma_wait3A_360] : memref<10000x128xf32, #tpu.memory_space<vmem_shared>> -> memref<10000x128xf32, #tpu.memory_space<vmem_shared>>
        tpu.wait_indirect_dma semaphore(%run_scoped3A_341 : memref<!tpu.dma_semaphore, #tpu.memory_space<semaphore_mem>>) src(%dma_wait3A_355 : memref<40x128xf32, #tpu.memory_space<vmem>>) dst(%dma_wait3A_361 : memref<10000x128xf32, #tpu.memory_space<vmem_shared>>)
        tpu.yield
      }) : () -> ()
      %add3A_334 = arith.constant 5 : i32
      %add3A_335 = arith.addi %add3A_305, %add3A_334 : i32
      %lt3A_336 = arith.constant 250 : i32
      %lt3A_337 = arith.cmpi slt, %add3A_335, %lt3A_336 : i32
      %convert_element_type3A_338 = arith.extui %lt3A_337 : i1 to i32
      %cond3A_339 = arith.constant 0 : i32
      %cond3A_340 = arith.cmpi ne, %convert_element_type3A_338, %cond3A_339 : i32
      scf.if %cond3A_340 {
        %add3A_341 = arith.constant 5 : i32
        %add3A_342 = arith.addi %add3A_305, %add3A_341 : i32
        %mul3A_343 = arith.constant 40 : i32
        %mul3A_344 = arith.muli %add3A_342, %mul3A_343 : i32
        %add3A_345 = arith.addi %mul3A_16, %mul3A_344 : i32
        %dma_start3A_346 = arith.constant 4 : i32
        %dma_start3A_347 = arith.constant 0 : i32
        %dma_start3A_348 = tpu.memref_slice %arg5[%dma_start3A_346, %dma_start3A_347] : memref<5x40xi32, #tpu.memory_space<vmem>> -> memref<1x40xi32, #tpu.memory_space<vmem>>
        %dma_start3A_349 = tpu.memref_squeeze %dma_start3A_348 : memref<1x40xi32, #tpu.memory_space<vmem>> -> memref<40xi32, #tpu.memory_space<vmem>>
        %dma_start3A_350 = tpu.memref_slice %arg3[%add3A_345] : memref<320000xi32, #tpu.memory_space<hbm>> -> memref<40xi32, #tpu.memory_space<hbm>>
        %dma_start3A_351 = arith.constant 0 : i32
        %dma_start3A_352 = tpu.memref_slice %arg5[%dma_start3A_346, %dma_start3A_351] : memref<5x40xi32, #tpu.memory_space<vmem>> -> memref<1x40xi32, #tpu.memory_space<vmem>>
        %dma_start3A_353 = tpu.memref_squeeze %dma_start3A_352 : memref<1x40xi32, #tpu.memory_space<vmem>> -> memref<40xi32, #tpu.memory_space<vmem>>
        %dma_start3A_354 = tpu.memref_slice %arg3[%add3A_345] : memref<320000xi32, #tpu.memory_space<hbm>> -> memref<40xi32, #tpu.memory_space<hbm>>
        tpu.enqueue_dma source(%dma_start3A_354 : memref<40xi32, #tpu.memory_space<hbm>>) target(%dma_start3A_353 : memref<40xi32, #tpu.memory_space<vmem>>) target_semaphore(%arg12 : memref<!tpu.dma_semaphore, #tpu.memory_space<semaphore_mem>>)
        %dma_start3A_355 = arith.constant 4 : i32
        %dma_start3A_356 = arith.constant 0 : i32
        %dma_start3A_357 = arith.constant 0 : i32
        %dma_start3A_358 = tpu.memref_slice %arg6[%dma_start3A_355, %dma_start3A_356, %dma_start3A_357] : memref<5x40x128xf32, #tpu.memory_space<vmem>> -> memref<1x40x128xf32, #tpu.memory_space<vmem>>
        %dma_start3A_359 = tpu.memref_squeeze %dma_start3A_358 : memref<1x40x128xf32, #tpu.memory_space<vmem>> -> memref<40x128xf32, #tpu.memory_space<vmem>>
        %dma_start3A_360 = arith.constant 0 : i32
        %dma_start3A_361 = tpu.memref_slice %arg2[%add3A_345, %dma_start3A_360] : memref<320000x128xf32, #tpu.memory_space<hbm>> -> memref<40x128xf32, #tpu.memory_space<hbm>>
        %dma_start3A_362 = arith.constant 0 : i32
        %dma_start3A_363 = arith.constant 0 : i32
        %dma_start3A_364 = tpu.memref_slice %arg6[%dma_start3A_355, %dma_start3A_362, %dma_start3A_363] : memref<5x40x128xf32, #tpu.memory_space<vmem>> -> memref<1x40x128xf32, #tpu.memory_space<vmem>>
        %dma_start3A_365 = tpu.memref_squeeze %dma_start3A_364 : memref<1x40x128xf32, #tpu.memory_space<vmem>> -> memref<40x128xf32, #tpu.memory_space<vmem>>
        %dma_start3A_366 = arith.constant 0 : i32
        %dma_start3A_367 = tpu.memref_slice %arg2[%add3A_345, %dma_start3A_366] : memref<320000x128xf32, #tpu.memory_space<hbm>> -> memref<40x128xf32, #tpu.memory_space<hbm>>
        tpu.enqueue_dma source(%dma_start3A_367 : memref<40x128xf32, #tpu.memory_space<hbm>>) target(%dma_start3A_365 : memref<40x128xf32, #tpu.memory_space<vmem>>) target_semaphore(%arg12 : memref<!tpu.dma_semaphore, #tpu.memory_space<semaphore_mem>>)
      } else {
      }
    }
    %scan3A_140 = arith.constant 50 : i32
    %barrier3A_141 = arith.constant 0 : index
    tpu.barrier barrier_id(%barrier3A_141)
    %scan3A_142 = arith.constant 0 : i32
    %scan3A_143 = arith.constant 0 : i32
    %scan3A_144 = arith.constant 250 : i32
    %scan3A_145 = arith.addi %scan3A_143, %scan3A_144 : i32
    %scan3A_146 = arith.constant 1 : i32
    %scan3A_147 = scf.for %scan3A_156 = %scan3A_143 to %scan3A_145 step %scan3A_146 iter_args(%scan3A_157 = %scan3A_142) -> (i32)  : i32 {
      %jit3A = arith.constant 16 : i32
      %eq3A = arith.constant 0 : i32
      %eq3A_158 = arith.cmpi eq, %jit3A, %eq3A : i32
      %jit3A_159 = arith.constant 1 : i32
      %select_n3A = arith.select %eq3A_158, %jit3A_159, %jit3A : i32
      %rem3A = arith.remsi %scan3A_156, %select_n3A : i32
      %ne3A = arith.constant 0 : i32
      %ne3A_160 = arith.cmpi ne, %rem3A, %ne3A : i32
      %lt3A = arith.constant 0 : i32
      %lt3A_161 = arith.cmpi slt, %rem3A, %lt3A : i32
      %lt3A_162 = arith.constant 0 : i32
      %lt3A_163 = arith.cmpi slt, %select_n3A, %lt3A_162 : i32
      %ne3A_164 = arith.xori %lt3A_161, %lt3A_163 : i1
      %and3A = arith.andi %ne3A_164, %ne3A_160 : i1
      %add3A_165 = arith.addi %rem3A, %select_n3A : i32
      %select_n3A_166 = arith.select %and3A, %add3A_165, %rem3A : i32
      %eq3A_167 = arith.cmpi eq, %select_n3A_166, %arg1 : i32
      %convert_element_type3A = arith.extui %eq3A_167 : i1 to i32
      %cond3A = arith.constant 0 : i32
      %cond3A_168 = arith.cmpi ne, %convert_element_type3A, %cond3A : i32
      scf.if %cond3A_168 {
        %mul3A_170 = arith.constant 40 : i32
        %mul3A_171 = arith.muli %scan3A_156, %mul3A_170 : i32
        %mul3A_172 = arith.constant 40 : i32
        %mul3A_173 = arith.muli %scan3A_156, %mul3A_172 : i32
        %dma_start3A_174 = arith.constant 0 : i32
        %dma_start3A_175 = tpu.memref_slice %arg4[%arg0, %mul3A_173, %dma_start3A_174] : memref<2x10000x128xf32, #tpu.memory_space<hbm>> -> memref<1x40x128xf32, #tpu.memory_space<hbm>>
        %dma_start3A_176 = tpu.memref_squeeze %dma_start3A_175 : memref<1x40x128xf32, #tpu.memory_space<hbm>> -> memref<40x128xf32, #tpu.memory_space<hbm>>
        %dma_start3A_177 = arith.constant 0 : i32
        %dma_start3A_178 = tpu.memref_slice %arg7[%mul3A_171, %dma_start3A_177] : memref<10000x128xf32, #tpu.memory_space<vmem_shared>> -> memref<40x128xf32, #tpu.memory_space<vmem_shared>>
        tpu.enqueue_dma source(%dma_start3A_178 : memref<40x128xf32, #tpu.memory_space<vmem_shared>>) target(%dma_start3A_176 : memref<40x128xf32, #tpu.memory_space<hbm>>) target_semaphore(%arg13 : memref<!tpu.dma_semaphore, #tpu.memory_space<semaphore_mem>>)
      } else {
      }
      %scan3A_169 = arith.constant 0 : i32
      scf.yield %scan3A_169 : i32
    }
    %scan3A_148 = arith.constant 250 : i32
    %scan3A_149 = arith.constant 0 : i32
    %scan3A_150 = arith.constant 0 : i32
    %scan3A_151 = arith.constant 250 : i32
    %scan3A_152 = arith.addi %scan3A_150, %scan3A_151 : i32
    %scan3A_153 = arith.constant 1 : i32
    %scan3A_154 = scf.for %scan3A_156 = %scan3A_150 to %scan3A_152 step %scan3A_153 iter_args(%scan3A_157 = %scan3A_149) -> (i32)  : i32 {
      %jit3A = arith.constant 16 : i32
      %eq3A = arith.constant 0 : i32
      %eq3A_158 = arith.cmpi eq, %jit3A, %eq3A : i32
      %jit3A_159 = arith.constant 1 : i32
      %select_n3A = arith.select %eq3A_158, %jit3A_159, %jit3A : i32
      %rem3A = arith.remsi %scan3A_156, %select_n3A : i32
      %ne3A = arith.constant 0 : i32
      %ne3A_160 = arith.cmpi ne, %rem3A, %ne3A : i32
      %lt3A = arith.constant 0 : i32
      %lt3A_161 = arith.cmpi slt, %rem3A, %lt3A : i32
      %lt3A_162 = arith.constant 0 : i32
      %lt3A_163 = arith.cmpi slt, %select_n3A, %lt3A_162 : i32
      %ne3A_164 = arith.xori %lt3A_161, %lt3A_163 : i1
      %and3A = arith.andi %ne3A_164, %ne3A_160 : i1
      %add3A_165 = arith.addi %rem3A, %select_n3A : i32
      %select_n3A_166 = arith.select %and3A, %add3A_165, %rem3A : i32
      %eq3A_167 = arith.cmpi eq, %select_n3A_166, %arg1 : i32
      %convert_element_type3A = arith.extui %eq3A_167 : i1 to i32
      %cond3A = arith.constant 0 : i32
      %cond3A_168 = arith.cmpi ne, %convert_element_type3A, %cond3A : i32
      scf.if %cond3A_168 {
        %mul3A_170 = arith.constant 40 : i32
        %mul3A_171 = arith.muli %scan3A_156, %mul3A_170 : i32
        %mul3A_172 = arith.constant 40 : i32
        %mul3A_173 = arith.muli %scan3A_156, %mul3A_172 : i32
        %dma_wait3A = arith.constant 0 : i32
        %dma_wait3A_174 = tpu.memref_slice %arg4[%arg0, %mul3A_173, %dma_wait3A] : memref<2x10000x128xf32, #tpu.memory_space<hbm>> -> memref<1x40x128xf32, #tpu.memory_space<hbm>>
        %dma_wait3A_175 = tpu.memref_squeeze %dma_wait3A_174 : memref<1x40x128xf32, #tpu.memory_space<hbm>> -> memref<40x128xf32, #tpu.memory_space<hbm>>
        %dma_wait3A_176 = arith.constant 0 : i32
        %dma_wait3A_177 = tpu.memref_slice %arg7[%mul3A_171, %dma_wait3A_176] : memref<10000x128xf32, #tpu.memory_space<vmem_shared>> -> memref<40x128xf32, #tpu.memory_space<vmem_shared>>
        tpu.wait_dma2 semaphore(%arg13 : memref<!tpu.dma_semaphore, #tpu.memory_space<semaphore_mem>>) src(%dma_wait3A_177 : memref<40x128xf32, #tpu.memory_space<vmem_shared>>) dst(%dma_wait3A_175 : memref<40x128xf32, #tpu.memory_space<hbm>>)
      } else {
      }
      %scan3A_169 = arith.constant 0 : i32
      scf.yield %scan3A_169 : i32
    }
    %scan3A_155 = arith.constant 250 : i32
    return
  }
}

module attributes {stable_mosaic.version = 14 : i64} {
  func.func @_add_body(%arg0: i32, %arg1: memref<1x5000x128xf32, #tpu.memory_space<vmem>>, %arg2: memref<1x5000x128xf32, #tpu.memory_space<vmem>>, %arg3: memref<5000x128xf32, #tpu.memory_space<vmem>>) attributes {dimension_semantics = [#tpu.dimension_semantics<arbitrary>], iteration_bounds = array<i64: 2>, scalar_prefetch = 0 : i64, scratch_operands = 0 : i64, tpu.core_type = #tpu.core_type<tc>, window_params = [{transform_indices = @transform_0, window_bounds = array<i64: 1, 5000, 128>}, {transform_indices = @transform_1, window_bounds = array<i64: 1, 5000, 128>}, {transform_indices = @transform_2, window_bounds = array<i64: 5000, 128>}]} {
    %get3A = arith.constant 0 : index
    %get3A_0 = arith.constant 0 : index
    %get3A_1 = arith.constant 0 : index
    %get3A_2 = vector.load %arg1[%get3A, %get3A_0, %get3A_1] : memref<1x5000x128xf32, #tpu.memory_space<vmem>>, vector<1x5000x128xf32>
    %get3A_3 = vector.shape_cast %get3A_2 : vector<1x5000x128xf32> to vector<5000x128xf32>
    %get3A_4 = arith.constant 0 : index
    %get3A_5 = arith.constant 0 : index
    %get3A_6 = arith.constant 0 : index
    %get3A_7 = vector.load %arg2[%get3A_4, %get3A_5, %get3A_6] : memref<1x5000x128xf32, #tpu.memory_space<vmem>>, vector<1x5000x128xf32>
    %get3A_8 = vector.shape_cast %get3A_7 : vector<1x5000x128xf32> to vector<5000x128xf32>
    %add3A = arith.addf %get3A_3, %get3A_8 : vector<5000x128xf32>
    %swap3A = arith.constant 0 : index
    %swap3A_9 = arith.constant 0 : index
    %swap3A_10 = vector.load %arg3[%swap3A, %swap3A_9] : memref<5000x128xf32, #tpu.memory_space<vmem>>, vector<5000x128xf32>
    tpu.vector_store %arg3[%swap3A, %swap3A_9], %add3A {strides = array<i32>} : memref<5000x128xf32, #tpu.memory_space<vmem>>, vector<5000x128xf32>,
    return
  }
  func.func @transform_0(%arg0: i32) -> (i32, i32, i32) {
    %c0_i32 = arith.constant 0 : i32
    %c0_i32_0 = arith.constant 0 : i32
    %c0_i32_1 = arith.constant 0 : i32
    return %c0_i32, %arg0, %c0_i32_0 : i32, i32, i32
  }
  func.func @transform_1(%arg0: i32) -> (i32, i32, i32) {
    %c1_i32 = arith.constant 1 : i32
    %c0_i32 = arith.constant 0 : i32
    %c0_i32_0 = arith.constant 0 : i32
    return %c1_i32, %arg0, %c0_i32 : i32, i32, i32
  }
  func.func @transform_2(%arg0: i32) -> (i32, i32) {
    %c0_i32 = arith.constant 0 : i32
    %c0_i32_0 = arith.constant 0 : i32
    return %arg0, %c0_i32 : i32, i32
  }
}

</mosaic_0001>

<sc_bundles>
// kernel: kernel.4.cloned.1.call-start
scs
__scs_entry_jumppad:
0x0: {  	(pc) =	sbr.rel $0x88, $3  }
0x1: {  	(tag) =	ssettag $0x0;
	lr =	simm.s32 $0x1  }
0x2: {  	[smem:$0x3F9F] =	sst lr;
	_ =	strace $0xD0000000  }
0x3: {  	_ = 	snop  }
0x4: {  	_ = 	snop  }
0x5: {  	_ = 	snop  }
0x6: {  	_ = 	snop  }
0x7: {  	_ = 	snop  }
__scs_overlays_trampoline_lowered:
0x8: {  	[smem:$0x3FAE] =	sst s0  }
0x9: {  	[smem:$0x3FAF] =	sst s1  }
0xa: {  	[smem:$0x3FB0] =	sst s2  }
0xb: {  	[smem:$0x3FB1] =	sst s3  }
0xc: {  	[smem:$0x3FB2] =	sst s4  }
0xd: {  	[smem:$0x3FB3] =	sst s5  }
0xe: {  	[smem:$0x3FB4] =	sst s6  }
0xf: {  	[smem:$0x3FB5] =	sst s7  }
0x10: {  	[smem:$0x3FB6] =	sst s8  }
0x11: {  	[smem:$0x3FB7] =	sst s9;
	s0 =	simm.s32 @!p0 $0x0  }
0x12: {  	s1 =	sld [smem:$0x3F9D];
	s0 =	simm.s32 @p0 $0x1  }
0x13: {  	[smem:$0x3FB8] =	sst s0;
	s0 =	simm.s32 @!p1 $0x0  }
0x14: {  	s2 =	sld [smem:$0x3F9C];
	s0 =	simm.s32 @p1 $0x1  }
0x15: {  	[smem:$0x3FB9] =	sst s0;
	s0 =	simm.s32 @!p2 $0x0  }
0x16: {  	s3 =	sld [smem:$0x3FDB];
	s0 =	simm.s32 @p2 $0x1  }
0x17: {  	s4 =	simm.s32 $0x1BF5;
	[smem:$0x3FBB] =	sst s0  }
0x18: {  	s0 =	sld [smem:$0x3F9E];
	_ =	swait.ge [sflag:s4], $0x0  }
0x19: {  	s7 =	sld [smem:$0x3F9F]  }
0x1a: {  	s8 =	sadd.s32 $0xFFFFE003, lr  }
0x1b: {  	s9 =	sadd.s32 $0xFFFFFEF7, lr;
	s5 =	simm.s32 $0xFFFFFFFF;
	p2 =	slt.u32 s8, $0xFFFFF086  }
0x1c: {  	p1 =	slt.u32 s9, $0xF7A;
	s5 =	simm.s32 @!p2 $0x0  }
0x1d: {  	s5 =	simm.s32 @p1 $0x1;
	p0 =	seq.s32 s7, s2  }
0x1e: {  	s7 =	smul.u32 @!p0 $0xF7A, s2;
	p2 =	seq.s32 @!p0 s5, $0x0  }
0x1f: {  	s9 =	smul.u32 $0xF7A, s1;
	s8 =	simm.s32 @!p0 $0x1BF5;
	p2 =	por !p2, p0  }
0x20: {  	[sflag:s8] =	ssyncset.s32 @!p0 $0xFFFFF086;
	s6 =	sadd.s32 @!p0 s3, s7;
	s7 =	simm.s32 @!p0 $0x108  }
0x21: {  	s3 =	sadd.s32 s3, s9;
	s6 =	sadd.s32 @!p0 $0x88, s6;
	s7 =	simm.s32 @p2 $0x1082  }
0x22: {  	[simem:s7], [sflag:s8] =	dma.local @!p0 [hbm:s6], $0xF7A  }
0x23: {  	s9 =	sor.u32 $0xD0000000, s2;
	s6 =	simm.s32 $0x108;
	_ =	swait.ge @!p0 [sflag:s8], $0x0  }
0x24: {  	s3 =	sadd.s32 $0x88, s3;
	s6 =	simm.s32 @!p1 $0x1082;
	[sflag:s4] =	ssyncset.s32 $0xFFFFF086  }
0x25: {  	[simem:s6], [sflag:s4] =	dma.local [hbm:s3], $0xF7A  }
0x26: {  	[smem:$0x3F9F] =	sst s1;
	(tag) =	ssettag s2;
	_ =	strace s9  }
0x27: {  	s1 =	sld [smem:$0x3FAF]  }
0x28: {  	s2 =	sld [smem:$0x3FB0]  }
0x29: {  	s4 =	sld [smem:$0x3FB2]  }
0x2a: {  	p0 =	seq.s32 s5, $0x0;
	s5 =	sld [smem:$0x3FB3]  }
0x2b: {  	s6 =	sld [smem:$0x3FB4]  }
0x2c: {  	s7 =	sld [smem:$0x3FB5]  }
0x2d: {  	s3 =	simm.s32 $0x108;
	s8 =	sld [smem:$0x3FB6]  }
0x2e: {  	s3 =	simm.s32 @!p0 $0x1082;
	s9 =	sld [smem:$0x3FB7]  }
0x2f: {  	lr =	sadd.s32 s0, s3;
	s0 =	sld [smem:$0x3FAE]  }
0x30: {  	s3 =	sld [smem:$0x3FB1]  }
0x31: {  	[smem:$0x3FBA] =	sst s10  }
0x32: {  	s10 =	sld [smem:$0x3FB8];
	_ =	sdelay $0x3  }
0x33: {  	p0 =	seq.s32 s10, $0x1;
	s10 =	sld [smem:$0x3FBA];
	_ =	sdelay $0x3  }
0x34: {  	[smem:$0x3FBA] =	sst s10  }
0x35: {  	s10 =	sld [smem:$0x3FB9];
	_ =	sdelay $0x3  }
0x36: {  	p1 =	seq.s32 s10, $0x1;
	s10 =	sld [smem:$0x3FBA];
	_ =	sdelay $0x3  }
0x37: {  	[smem:$0x3FBA] =	sst s10  }
0x38: {  	s10 =	sld [smem:$0x3FBB]  }
0x39: {  	_ = 	snop;
	(pc) =	sbr.ind lr, $3  }
0x3a: {  	_ = 	snop  }
0x3b: {  	_ = 	snop  }
0x3c: {  	p2 =	seq.s32 s10, $0x1;
	s10 =	sld [smem:$0x3FBA]  }
0x3d: {  	_ =	shalt  }
0x3e: {  	_ =	shalt  }
0x3f: {  	_ =	shalt  }
0x40: {  	_ =	shalt  }
0x41: {  	_ =	shalt  }
0x42: {  	_ =	shalt  }
0x43: {  	_ =	shalt  }
0x44: {  	_ =	shalt  }
0x45: {  	_ =	shalt  }
0x46: {  	_ =	shalt  }
0x47: {  	_ =	shalt  }
0x48: {  	_ =	shalt  }
0x49: {  	_ =	shalt  }
0x4a: {  	_ =	shalt  }
0x4b: {  	_ =	shalt  }
0x4c: {  	_ =	shalt  }
0x4d: {  	_ =	shalt  }
0x4e: {  	_ =	shalt  }
0x4f: {  	_ =	shalt  }
0x50: {  	_ =	shalt  }
0x51: {  	_ =	shalt  }
0x52: {  	_ =	shalt  }
0x53: {  	_ =	shalt  }
0x54: {  	_ =	shalt  }
0x55: {  	_ =	shalt  }
0x56: {  	_ =	shalt  }
0x57: {  	_ =	shalt  }
0x58: {  	_ =	shalt  }
0x59: {  	_ =	shalt  }
0x5a: {  	_ =	shalt  }
0x5b: {  	_ =	shalt  }
0x5c: {  	_ =	shalt  }
0x5d: {  	_ =	shalt  }
0x5e: {  	_ =	shalt  }
0x5f: {  	_ =	shalt  }
0x60: {  	_ =	shalt  }
0x61: {  	_ =	shalt  }
0x62: {  	_ =	shalt  }
0x63: {  	_ =	shalt  }
0x64: {  	_ =	shalt  }
0x65: {  	_ =	shalt  }
0x66: {  	_ =	shalt  }
0x67: {  	_ =	shalt  }
0x68: {  	_ =	shalt  }
0x69: {  	_ =	shalt  }
0x6a: {  	_ =	shalt  }
0x6b: {  	_ =	shalt  }
0x6c: {  	_ =	shalt  }
0x6d: {  	_ =	shalt  }
0x6e: {  	_ =	shalt  }
0x6f: {  	_ =	shalt  }
0x70: {  	_ =	shalt  }
0x71: {  	_ =	shalt  }
0x72: {  	_ =	shalt  }
0x73: {  	_ =	shalt  }
0x74: {  	_ =	shalt  }
0x75: {  	_ =	shalt  }
0x76: {  	_ =	shalt  }
0x77: {  	_ =	shalt  }
0x78: {  	_ =	shalt  }
0x79: {  	_ =	shalt  }
0x7a: {  	_ =	shalt  }
0x7b: {  	_ =	shalt  }
0x7c: {  	_ =	shalt  }
0x7d: {  	_ =	shalt  }
0x7e: {  	_ =	shalt  }
0x7f: {  	_ =	shalt  }
0x80: {  	_ =	shalt  }
0x81: {  	_ =	shalt  }
0x82: {  	_ =	shalt  }
0x83: {  	_ =	shalt  }
0x84: {  	_ =	shalt  }
0x85: {  	_ =	shalt  }
0x86: {  	_ =	shalt  }
0x87: {  	_ =	shalt  }
.Lfunc_end0:
.L_simem_size_0:
called_computation_lowered:
.L_overlay_start_0:
0x88: {  	s2 =	sld [smem:$0x3FD9]  }
0x89: {  	s3 =	sld [smem:$0x3FFE];
	_ =	sdelay $0x1  }
0x8a: {  	s1 =	srdreg.scid  }
0x8b: {  	s0 =	sand.u32 $0x1, s1  }
0x8c: {  	s17 =	sshll.u32 s0, $0xA;
	s2 =	sadd.s32 s3, s2  }
0x8d: {  	s2 =	sadd.s32 s2, s17  }
0x8e: {  	[smem:$0x3FC6] =	sst s2  }
0x8f: {  	_ = 	snop  }
0x90: {  	s2 =	sld [smem:$0x3FC9]  }
0x91: {  	s18 =	sld [smem:$0x3FC8];
	(tm) =	ssettm $0x1  }
0x92: {  	s4 =	sld [smem:$0x3FFB];
	_ =	sdelay $0x3  }
0x93: {  	_ =	strace s4  }
0x94: {  	s4 =	sld [smem:$0x3FFC];
	_ =	sdelay $0x3  }
0x95: {  	_ =	strace s4  }
0x96: {  	s4 =	sld [smem:$0x3FFD];
	_ =	sdelay $0x3  }
0x97: {  	_ =	strace s4  }
0x98: {  	_ =	strace $0x8FFFFFFF  }
0x99: {  	s19 =	sld [smem:$0x3FDB];
	_ =	sdelay $0x1  }
0x9a: {  	s5 =	simm.s32 $_scs_section_size  }
0x9b: {  	s6 =	simm.s32 $_size__tile_overlayer_lowered;
	s7 =	simm.s32 $_tile_overlayer_lowered  }
0x9c: {  	s22 =	simm.s32 $0x1BFF;
	s21 =	sshll.u32 s7, $0x1;
	s4 =	sadd.s32 s5, s19  }
0x9d: {  	s8 =	simm.s32 $0x0;
	s20 =	sshll.u32 s6, $0x1;
	s6 =	sadd.s32 s21, s4  }
0x9e: {  	[timem:s8], [sflag:s22] =	dma.local [hbm:s6], s20  }
0x9f: {  	_ =	swait.ge [sflag:s22], s20  }
0xa0: {  	s5 =	ssub.s32 $0x0, s20;
	[sflag:s22] =	ssyncset.done $0x0  }
0xa1: {  	[sflag:s22] =	ssyncadd.s32 s5;
	_ =	sdelay $0x1  }
0xa2: {  	s23 =	simm.s32 $0x1B8B  }
0xa3: {  	_ =	swait.ge [sflag:s23], $0x1  }
0xa4: {  	[sflag:s23] =	ssyncset.done $0x0  }
0xa5: {  	s25 =	simm.s32 $0x1B8E;
	s24 =	sld [smem:$0x3FFE];
	[sflag:s23] =	ssyncadd.s32 $0xFFFFFFFF  }
0xa6: {  	s26 =	simm.s32 $execute0_lowered;
	[smem:$0x3FD2] =	sst s25  }
0xa7: {  	s6 =	sshll.u32 s26, $0x1;
	_ =	strace $0x80000046;
	[dreg:$0x1] =	wrdreg $0xFFFFFFFF  }
0xa8: {  	s28 =	simm.s32 $_size_execute0_lowered;
	s4 =	sadd.s32 s4, s6;
	[dreg:$0x0] =	wrdreg $0x0  }
0xa9: {  	s6 =	sshll.u32 s28, $0x1;
	[dreg:$0x2] =	wrdreg s4  }
0xaa: {  	[dreg:$0x3] =	wrdreg s6  }
0xab: {  	[dreg:$0x4] =	wrdreg $0xC0  }
0xac: {  	_ =	task [dreg:s8], $0x5FFFF  }
0xad: {  	[dreg:$0x1] =	wrdreg $0xFFFFFFFF  }
0xae: {  	[dreg:$0x0] =	wrdreg $0x60  }
0xaf: {  	[dreg:$0x2] =	wrdreg s2  }
0xb0: {  	[dreg:$0x3] =	wrdreg s18  }
0xb1: {  	[dreg:$0x4] =	wrdreg s24  }
0xb2: {  	[dreg:$0x5] =	wrdreg $0x68000  }
0xb3: {  	[dreg:$0x6] =	wrdreg $0x9  }
0xb4: {  	_ =	task.clear_ibuf [dreg:s8], $0x7FFFF;
	_ =	strace $0x90000046  }
0xb5: {  	s29 =	simm.s32 $0x9;
	_ =	strace $0x80000048  }
0xb6: {  	_ =	swait.ge [sflag:s29], $0x1  }
0xb7: {  	[sflag:s29] =	ssyncadd.s32 $0xFFFFFFFF  }
0xb8: {  	_ =	strace $0x90000048  }
0xb9: {  	_ =	sfence  }
0xba: {  	s30 =	sld [smem:$0x0];
	_ =	sdelay $0x2  }
0xbb: {  	s31 =	sshll.u32 s1, $0xD;
	s1 =	sshrl.u32 s1, $0x2  }
0xbc: {  	s3 =	sand.u32 $0x4000, s31;
	s1 =	sadd.s32 s1, s30  }
0xbd: {  	s0 =	sor.u32 s3, s0;
	s1 =	sshll.u32 s1, $0x11  }
0xbe: {  	s0 =	sor.u32 s1, s0  }
0xbf: {  	s0 =	sadd.s32 $0x8F2B, s0  }
0xc0: {  	[sflag:s0] =	ssyncadd.remote.s32 $0x1  }
0xc1: {  	_ =	sfence.sel $0xFFFF  }
0xc2: {  	[dreg:$0x0] =	wrdreg $0xFFFFFFFF;
	(pc) =	sbr.abs _section_cstart, $3  }
0xc3: {  	[dreg:$0x1] =	wrdreg $0xFFFFFFFF  }
0xc4: {  	_ =	task.clear_ibuf [dreg:s8], $0x2FFFF;
	_ =	strace $0x9FFFFFFF  }
0xc5: {  	(tm) =	ssettm $0x7FFFFFFF  }
tec
execute0_lowered:
.L_overlay_start_1:
0x0: {  	(tag) =	ssettag $0x1  }
0x1: {  	s0 =	rddreg [dreg:$0x0]  }
0x2: {  	s1 =	rddreg [dreg:$0x1]  }
0x3: {  	s5 =	rddreg [dreg:$0x2]  }
0x4: {  	s2 =	srdreg.scid;
	s3 =	rddreg [dreg:$0x3];
	s4 =	simm.s32 $0x0  }
0x5: {  	s30 =	simm.s32 $0x200;
	s31 =	simm.s32 $0x5400;
	s6 =	sand.u32 $0x1, s2  }
0x6: {  	s28 =	simm.s32 $0x7;
	s2 =	stileid.u32;
	s8 =	smul.u32 $0x27100, s6  }
0x7: {  	s29 =	simm.s32 $0x3;
	[smem:$0x7FF] =	sst s4;
	s16 =	smul.u32 $0x2710, s2  }
0x8: {  	s7 =	sshll.u32 s6, $0x4;
	s10 =	ssub.s32 $0x2, s6;
	s6 =	smul.u32 $0x271000, s6  }
0x9: {  	_ =	strace $0x80000047;
	s17 =	smul.u32 $0x27100, s2;
	s7 =	sor.u32 s2, s7  }
0xa: {  	s11 =	sshrl.u32 s10, $0x1;
	s9 =	smul.u32 $0x2710, s7;
	s5 =	sadd.s32 s8, s5  }
0xb: {  	s10 =	ssub.s32 s10, s11;
	s7 =	smul.u32 $0x27100, s7;
	s8 =	sadd.s32 s16, s8  }
0xc: {  	s18 =	sadd.s32 $0x168, s8;
	s19 =	smax.u32 s10, $0x1;
	s21 =	sadd.s32 $0x140, s8  }
0xd: {  	s12 =	sadd.s32 $0x28, s9;
	s24 =	sadd.s32 $0x50, s9;
	s13 =	sadd.s32 $0x78, s9  }
0xe: {  	s7 =	sadd.s32 s0, s7;
	[dreg:$0xf] =	wrdreg s19;
	s20 =	sshrl.u32 s18, $0x3  }
0xf: {  	s22 =	sshrl.u32 s12, $0x3;
	s12 =	sshll.u32 s12, $0x4;
	s25 =	sshrl.u32 s24, $0x3  }
0x10: {  	s26 =	sshrl.u32 s13, $0x3;
	[dreg:$0xe] =	wrdreg s7;
	s11 =	sadd.s32 s1, s22  }
0x11: {  	s23 =	sadd.s32 s0, s12;
	s12 =	sadd.s32 s1, s25;
	[dreg:$0x5] =	wrdreg s11  }
0x12: {  	s22 =	sadd.s32 $0x118, s8;
	[dreg:$0x6] =	wrdreg s23;
	s11 =	sshll.u32 s24, $0x4  }
0x13: {  	[dreg:$0x7] =	wrdreg s12;
	s12 =	sshll.u32 s13, $0x4;
	s13 =	sadd.s32 $0xA0, s9  }
0x14: {  	s9 =	sshrl.u32 s9, $0x3;
	s23 =	sadd.s32 $0xF0, s8;
	s11 =	sadd.s32 s0, s11  }
0x15: {  	s14 =	sshrl.u32 s13, $0x3;
	s9 =	sadd.s32 s1, s9;
	[dreg:$0x8] =	wrdreg s11  }
0x16: {  	s15 =	sshll.u32 s13, $0x4;
	s11 =	sadd.s32 s1, s26;
	[dreg:$0xd] =	wrdreg s9  }
0x17: {  	s25 =	sshrl.u32 s23, $0x3;
	s26 =	sadd.s32 $0xC8, s8;
	[dreg:$0x9] =	wrdreg s11  }
0x18: {  	s23 =	simm.s32 $0x1;
	s11 =	sadd.s32 s0, s12;
	[dreg:$0x14] =	wrdreg s26  }
0x19: {  	s26 =	simm.s32 $0x2C00;
	[dreg:$0xa] =	wrdreg s11;
	s11 =	sadd.s32 s1, s14  }
0x1a: {  	[dreg:$0xb] =	wrdreg s11;
	s11 =	sadd.s32 s0, s15;
	s0 =	sadd.s32 s6, s0  }
0x1b: {  	s6 =	sshrl.u32 s22, $0x3;
	s22 =	sadd.s32 $0x600, s5;
	s5 =	simm.s32 $0x5  }
0x1c: {  	[dreg:$0xc] =	wrdreg s11;
	s16 =	sadd.s32 s17, s0;
	s0 =	sadd.s32 s20, s1  }
0x1d: {  	s24 =	sadd.s32 s6, s1;
	[dreg:$0x10] =	wrdreg s0;
	s0 =	sshrl.u32 s21, $0x3  }
0x1e: {  	s6 =	simm.s32 $0x0;
	[dreg:$0x12] =	wrdreg s24;
	s0 =	sadd.s32 s0, s1  }
0x1f: {  	s24 =	simm.s32 $0x28;
	[dreg:$0x11] =	wrdreg s0;
	s0 =	sadd.s32 s25, s1  }
0x20: {  	v0 =	vimm.f32 $0.0e+00;
	s25 =	simm.s32 $0x100;
	[dreg:$0x13] =	wrdreg s0;
	s0 =	simm.s32 $0x400  }
.LBB2_1:
0x21: {  	s7 =	simm.s32 $0x0;
	s13 =	simm.s32 $0x200  }
.LBB2_2:
0x22: {  	p0 =	sne.s32 s13, $0x4E00;
	[tilespmem:s7+$0x470] =	vst v0  }
0x23: {  	[tilespmem:s7+$0x400] =	vst v0  }
0x24: {  	[tilespmem:s7+$0x410] =	vst v0  }
.Ltmp0:
0x25: {  	[tilespmem:s7+$0x420] =	vst v0;
	(pc) =	sbr.rel @p0 .LBB2_2-.Ltmp0, $4  }
0x26: {  	[tilespmem:s7+$0x430] =	vst v0  }
0x27: {  	[tilespmem:s7+$0x440] =	vst v0  }
0x28: {  	[tilespmem:s7+$0x450] =	vst v0  }
0x29: {  	[tilespmem:s7+$0x460] =	vst v0;
	s7 =	sshra.s32 s13, $0x2;
	s13 =	sadd.s32 $0x200, s13  }
0x2a: {  	[tilespmem:s7+$0x470] =	vst v0  }
0x2b: {  	[tilespmem:s7+$0x400] =	vst v0  }
0x2c: {  	[tilespmem:s7+$0x410] =	vst v0  }
0x2d: {  	[tilespmem:s7+$0x420] =	vst v0  }
0x2e: {  	[tilespmem:s7+$0x430] =	vst v0;
	s13 =	simm.s32 $0x0  }
0x2f: {  	[tilespmem:s7+$0x440] =	vst v0;
	s13 =	sand.u32 $0xF, s13  }
0x30: {  	[tilespmem:s7+$0x450] =	vst v0;
	p0 =	sne.s32 s13, s2  }
0x31: {  	[tilespmem:s7+$0x460] =	vst v0;
	s7 =	simm.s32 @!p0 $0x400;
	s17 =	simm.s32 @!p0 $0x7  }
0x32: {  	[spmem:s3] =	stream.linear.scatter @!p0 [tilespmem:s7], [sflag:$0x7], $0x1400, $0x38;
	[tilespmem:$0x1A080] =	vst v63  }
0x33: {  	s14 =	simm.s32 $0x2;
	_ =	swait.ge @!p0 [sflag:s17], $0x1400  }
0x34: {  	s13 =	simm.s32 $0x1;
	s7 =	sadd.s32 $0x1400, s3;
	[sflag:s17] =	ssyncset.done @!p0 $0x0  }
.LBB2_4:
0x35: {  	s18 =	sand.u32 $0xF, s13;
	s13 =	smov.u32 s14;
	s14 =	sadd.s32 $0x1, s14  }
0x36: {  	[sflag:s17] =	ssyncadd.s32 @!p0 $0xFFFFEC00;
	p1 =	sne.s32 s14, $0xFA  }
.Ltmp1:
0x37: {  	p0 =	sne.s32 s18, s2;
	(pc) =	sbr.rel @p1 .LBB2_4-.Ltmp1, $4  }
0x38: {  	s18 =	simm.s32 @!p0 $0x400;
	s17 =	simm.s32 @!p0 $0x7  }
0x39: {  	[spmem:s7] =	stream.linear.scatter @!p0 [tilespmem:s18], [sflag:$0x7], $0x1400, $0x38;
	[tilespmem:$0x1A080] =	vst v63  }
0x3a: {  	_ =	swait.ge @!p0 [sflag:s17], $0x1400  }
0x3b: {  	s7 =	sadd.s32 $0x1400, s7;
	[sflag:s17] =	ssyncset.done @!p0 $0x0  }
0x3c: {  	s13 =	sand.u32 $0xF, s13  }
0x3d: {  	p1 =	sne.s32 s13, s2  }
0x3e: {  	[sflag:s17] =	ssyncadd.s32 @!p0 $0xFFFFEC00;
	s13 =	simm.s32 @!p1 $0x400;
	s14 =	simm.s32 @!p1 $0x7  }
0x3f: {  	[spmem:s7] =	stream.linear.scatter @!p1 [tilespmem:s13], [sflag:$0x7], $0x1400, $0x38;
	[tilespmem:$0x1A080] =	vst v63  }
0x40: {  	_ =	swait.ge @!p1 [sflag:s14], $0x1400  }
0x41: {  	s9 =	simm.s32 $0x80;
	[sflag:s14] =	ssyncset.done @!p1 $0x0  }
0x42: {  	s7 =	simm.s32 $0x0;
	s8 =	rddreg [dreg:$0x5];
	[sflag:s14] =	ssyncadd.s32 @!p1 $0xFFFFEC00  }
0x43: {  	[tilespmem:s9], [sflag:$0x2] =	stream.linear.gather [hbm4b:s8+s7], $0x28, $0x38;
	[tilespmem:$0x1A080] =	vst v63  }
0x44: {  	s10 =	simm.s32 $0x1800;
	s9 =	rddreg [dreg:$0x6]  }
0x45: {  	[tilespmem:s10], [sflag:$0x2] =	stream.linear.gather [hbm4b:s9+s7], $0x1400, $0x38;
	[tilespmem:$0x1A080] =	vst v63  }
0x46: {  	s11 =	rddreg [dreg:$0x7]  }
0x47: {  	[tilespmem:s25], [sflag:$0x3] =	stream.linear.gather [hbm4b:s11+s7], $0x28, $0x38;
	[tilespmem:$0x1A080] =	vst v63  }
0x48: {  	s12 =	rddreg [dreg:$0x8]  }
0x49: {  	[tilespmem:s26], [sflag:$0x3] =	stream.linear.gather [hbm4b:s12+s7], $0x1400, $0x38;
	[tilespmem:$0x1A080] =	vst v63  }
0x4a: {  	s13 =	rddreg [dreg:$0x9];
	s14 =	simm.s32 $0x180  }
0x4b: {  	[tilespmem:s14], [sflag:$0x4] =	stream.linear.gather [hbm4b:s13+s7], $0x28, $0x38;
	[tilespmem:$0x1A080] =	vst v63  }
0x4c: {  	s17 =	simm.s32 $0x4000;
	s15 =	rddreg [dreg:$0xa]  }
0x4d: {  	[tilespmem:s17], [sflag:$0x4] =	stream.linear.gather [hbm4b:s15+s7], $0x1400, $0x38;
	[tilespmem:$0x1A080] =	vst v63  }
0x4e: {  	s18 =	rddreg [dreg:$0xb]  }
0x4f: {  	[tilespmem:s30], [sflag:$0x5] =	stream.linear.gather [hbm4b:s18+s7], $0x28, $0x38;
	[tilespmem:$0x1A080] =	vst v63  }
0x50: {  	s19 =	rddreg [dreg:$0xc]  }
0x51: {  	[tilespmem:s31], [sflag:$0x5] =	stream.linear.gather [hbm4b:s19+s7], $0x1400, $0x38;
	[tilespmem:$0x1A080] =	vst v63  }
0x52: {  	[bflag:$0x0] =	sbarrier.arrive $0xFFFF  }
0x53: {  	s20 =	rddreg [dreg:$0xd]  }
0x54: {  	s21 =	rddreg [dreg:$0xe]  }
0x55: {  	s19 =	rddreg [dreg:$0x12]  }
0x56: {  	s18 =	rddreg [dreg:$0x11]  }
0x57: {  	s17 =	rddreg [dreg:$0x10]  }
0x58: {  	[tilespmem:s7], [sflag:$0x1] =	stream.linear.gather [hbm4b:s20+s7], $0x28, $0x38;
	[tilespmem:$0x1A080] =	vst v63  }
0x59: {  	s20 =	rddreg [dreg:$0x13]  }
0x5a: {  	[tilespmem:s0], [sflag:$0x1] =	stream.linear.gather [hbm4b:s21+s7], $0x1400, $0x38;
	[tilespmem:$0x1A080] =	vst v63  }
0x5b: {  	s21 =	rddreg [dreg:$0x14]  }
.LBB2_6:
0x5c: {  	_ =	swait.ge [sflag:s23], $0x28  }
0x5d: {  	[sflag:s23] =	ssyncset.done $0x0  }
0x5e: {  	[sflag:s23] =	ssyncadd.s32 $0xFFFFFFD8  }
0x5f: {  	_ =	swait.ge [sflag:s23], $0x1400  }
0x60: {  	[sflag:s23] =	ssyncset.done $0x0  }
0x61: {  	[sflag:s23] =	ssyncadd.s32 $0xFFFFEC00  }
0x62: {  	[spmem:s3] =	stream.indirect.scatter.add.f32 [tilespmem:s0], [sflag:$0x7], $0x80, s4, s24, $0xb8;
	[tilespmem:$0x1A080] =	vst v63  }
0x63: {  	_ =	swait.ge [sflag:s28], $0x1400  }
0x64: {  	p0 =	seq.s32 s7, $0x26480;
	[sflag:s28] =	ssyncset.done $0x0  }
0x65: {  	s13 =	simm.s32 @p0 $0x2;
	[sflag:s28] =	ssyncadd.s32 $0xFFFFEC00  }
0x66: {  	_ =	swait.ge @p0 [sflag:s13], $0x28  }
0x67: {  	[sflag:s13] =	ssyncset.done @p0 $0x0  }
0x68: {  	[sflag:s13] =	ssyncadd.s32 @p0 $0xFFFFFFD8  }
0x69: {  	_ =	swait.ge @p0 [sflag:s13], $0x1400  }
0x6a: {  	s15 =	simm.s32 @p0 $0x28;
	s14 =	simm.s32 @p0 $0x1800;
	[sflag:s13] =	ssyncset.done @p0 $0x0  }
0x6b: {  	s12 =	simm.s32 @p0 $0x7;
	[sflag:s13] =	ssyncadd.s32 @p0 $0xFFFFEC00;
	s13 =	simm.s32 @p0 $0x80  }
0x6c: {  	[spmem:s3] =	stream.indirect.scatter.add.f32 @p0 [tilespmem:s14], [sflag:$0x7], $0x80, s13, s15, $0xb8;
	[tilespmem:$0x1A080] =	vst v63  }
0x6d: {  	_ =	swait.ge @p0 [sflag:s12], $0x1400  }
0x6e: {  	s13 =	sshrl.u32 @!p0 s21, $0x3;
	[sflag:s12] =	ssyncset.done @p0 $0x0  }
0x6f: {  	s14 =	sadd.s32 @!p0 s1, s13;
	s13 =	simm.s32 @!p0 $0x0;
	[sflag:s12] =	ssyncadd.s32 @p0 $0xFFFFEC00  }
0x70: {  	[tilespmem:s13], [sflag:$0x1] =	stream.linear.gather @!p0 [hbm4b:s14+s13], $0x28, $0x38;
	[tilespmem:$0x1A080] =	vst v63  }
0x71: {  	s14 =	sadd.s32 @!p0 s7, s16  }
0x72: {  	s10 =	simm.s32 @!p0 $0x400;
	s11 =	sadd.s32 @!p0 $0xC80, s14  }
0x73: {  	[tilespmem:s10], [sflag:$0x1] =	stream.linear.gather @!p0 [hbm4b:s11+s13], $0x1400, $0x38;
	[tilespmem:$0x1A080] =	vst v63  }
0x74: {  	s10 =	simm.s32 @!p0 $0x2  }
0x75: {  	_ =	swait.ge @!p0 [sflag:s10], $0x28  }
0x76: {  	[sflag:s10] =	ssyncset.done @!p0 $0x0  }
0x77: {  	[sflag:s10] =	ssyncadd.s32 @!p0 $0xFFFFFFD8  }
0x78: {  	_ =	swait.ge @!p0 [sflag:s10], $0x1400  }
0x79: {  	s9 =	simm.s32 @!p0 $0x1800;
	s8 =	simm.s32 @!p0 $0x7;
	[sflag:s10] =	ssyncset.done @!p0 $0x0  }
0x7a: {  	s11 =	simm.s32 @!p0 $0x80;
	[sflag:s10] =	ssyncadd.s32 @!p0 $0xFFFFEC00;
	s10 =	simm.s32 @!p0 $0x28  }
0x7b: {  	[spmem:s3] =	stream.indirect.scatter.add.f32 @!p0 [tilespmem:s9], [sflag:$0x7], $0x80, s11, s10, $0xb8;
	[tilespmem:$0x1A080] =	vst v63  }
0x7c: {  	_ =	swait.ge @!p0 [sflag:s8], $0x1400  }
0x7d: {  	[sflag:s8] =	ssyncset.done @!p0 $0x0  }
0x7e: {  	[sflag:s8] =	ssyncadd.s32 @!p0 $0xFFFFEC00  }
0x7f: {  	[tilespmem:s11], [sflag:$0x2] =	stream.linear.gather @!p0 [hbm4b:s20+s13], $0x28, $0x38;
	[tilespmem:$0x1A080] =	vst v63  }
0x80: {  	s11 =	sadd.s32 @!p0 $0xF00, s14  }
0x81: {  	[tilespmem:s9], [sflag:$0x2] =	stream.linear.gather @!p0 [hbm4b:s11+s13], $0x1400, $0x38;
	[tilespmem:$0x1A080] =	vst v63  }
0x82: {  	_ =	swait.ge [sflag:s29], $0x28  }
0x83: {  	[sflag:s29] =	ssyncset.done $0x0  }
0x84: {  	[sflag:s29] =	ssyncadd.s32 $0xFFFFFFD8  }
0x85: {  	_ =	swait.ge [sflag:s29], $0x1400  }
0x86: {  	[sflag:s29] =	ssyncset.done $0x0  }
0x87: {  	[sflag:s29] =	ssyncadd.s32 $0xFFFFEC00  }
0x88: {  	[spmem:s3] =	stream.indirect.scatter.add.f32 [tilespmem:s26], [sflag:$0x7], $0x80, s25, s24, $0xb8;
	[tilespmem:$0x1A080] =	vst v63  }
0x89: {  	_ =	swait.ge [sflag:s28], $0x1400  }
0x8a: {  	[sflag:s28] =	ssyncset.done $0x0  }
0x8b: {  	s9 =	simm.s32 @p0 $0x4;
	[sflag:s28] =	ssyncadd.s32 $0xFFFFEC00  }
0x8c: {  	_ =	swait.ge @p0 [sflag:s9], $0x28  }
0x8d: {  	[sflag:s9] =	ssyncset.done @p0 $0x0  }
0x8e: {  	[sflag:s9] =	ssyncadd.s32 @p0 $0xFFFFFFD8  }
0x8f: {  	_ =	swait.ge @p0 [sflag:s9], $0x1400  }
0x90: {  	[sflag:s9] =	ssyncset.done @p0 $0x0  }
0x91: {  	s11 =	simm.s32 @p0 $0x4000;
	[sflag:s9] =	ssyncadd.s32 @p0 $0xFFFFEC00;
	s9 =	simm.s32 @p0 $0x180  }
0x92: {  	[spmem:s3] =	stream.indirect.scatter.add.f32 @p0 [tilespmem:s11], [sflag:$0x7], $0x80, s9, s15, $0xb8;
	[tilespmem:$0x1A080] =	vst v63  }
0x93: {  	_ =	swait.ge @p0 [sflag:s12], $0x1400  }
0x94: {  	[sflag:s12] =	ssyncset.done @p0 $0x0  }
0x95: {  	s9 =	simm.s32 @!p0 $0x100;
	[sflag:s12] =	ssyncadd.s32 @p0 $0xFFFFEC00  }
0x96: {  	[tilespmem:s9], [sflag:$0x3] =	stream.linear.gather @!p0 [hbm4b:s19+s13], $0x28, $0x38;
	[tilespmem:$0x1A080] =	vst v63  }
0x97: {  	s11 =	simm.s32 @!p0 $0x2C00;
	s9 =	sadd.s32 @!p0 $0x1180, s14  }
0x98: {  	[tilespmem:s11], [sflag:$0x3] =	stream.linear.gather @!p0 [hbm4b:s9+s13], $0x1400, $0x38;
	[tilespmem:$0x1A080] =	vst v63  }
0x99: {  	s9 =	simm.s32 @!p0 $0x4  }
0x9a: {  	_ =	swait.ge @!p0 [sflag:s9], $0x28  }
0x9b: {  	[sflag:s9] =	ssyncset.done @!p0 $0x0  }
0x9c: {  	[sflag:s9] =	ssyncadd.s32 @!p0 $0xFFFFFFD8  }
0x9d: {  	_ =	swait.ge @!p0 [sflag:s9], $0x1400  }
0x9e: {  	[sflag:s9] =	ssyncset.done @!p0 $0x0  }
0x9f: {  	s11 =	simm.s32 @!p0 $0x4000;
	[sflag:s9] =	ssyncadd.s32 @!p0 $0xFFFFEC00;
	s9 =	simm.s32 @!p0 $0x180  }
0xa0: {  	[spmem:s3] =	stream.indirect.scatter.add.f32 @!p0 [tilespmem:s11], [sflag:$0x7], $0x80, s9, s10, $0xb8;
	[tilespmem:$0x1A080] =	vst v63  }
0xa1: {  	_ =	swait.ge @!p0 [sflag:s8], $0x1400  }
0xa2: {  	[sflag:s8] =	ssyncset.done @!p0 $0x0  }
0xa3: {  	[sflag:s8] =	ssyncadd.s32 @!p0 $0xFFFFEC00  }
0xa4: {  	[tilespmem:s9], [sflag:$0x4] =	stream.linear.gather @!p0 [hbm4b:s18+s13], $0x28, $0x38;
	[tilespmem:$0x1A080] =	vst v63  }
0xa5: {  	s8 =	sadd.s32 @!p0 $0x1400, s14  }
0xa6: {  	[tilespmem:s11], [sflag:$0x4] =	stream.linear.gather @!p0 [hbm4b:s8+s13], $0x1400, $0x38;
	[tilespmem:$0x1A080] =	vst v63  }
0xa7: {  	_ =	swait.ge [sflag:s5], $0x28  }
0xa8: {  	[sflag:s5] =	ssyncset.done $0x0  }
0xa9: {  	[sflag:s5] =	ssyncadd.s32 $0xFFFFFFD8  }
0xaa: {  	_ =	swait.ge [sflag:s5], $0x1400  }
0xab: {  	[sflag:s5] =	ssyncset.done $0x0  }
.Ltmp2:
0xac: {  	[sflag:s5] =	ssyncadd.s32 $0xFFFFEC00;
	(pc) =	sbr.rel @p0 .LBB2_8-.Ltmp2, $4  }
0xad: {  	[spmem:s3] =	stream.indirect.scatter.add.f32 [tilespmem:s31], [sflag:$0x7], $0x80, s30, s24, $0xb8;
	[tilespmem:$0x1A080] =	vst v63  }
0xae: {  	_ =	swait.ge [sflag:s28], $0x1400  }
0xaf: {  	[sflag:s28] =	ssyncset.done $0x0  }
0xb0: {  	[sflag:s28] =	ssyncadd.s32 $0xFFFFEC00  }
0xb1: {  	[tilespmem:s30], [sflag:$0x5] =	stream.linear.gather [hbm4b:s17+s4], $0x28, $0x38;
	[tilespmem:$0x1A080] =	vst v63  }
.Ltmp3:
0xb2: {  	_ = 	snop;
	(pc) =	sbr.rel .LBB2_6-.Ltmp3, $4  }
0xb3: {  	s8 =	sadd.s32 s7, s16;
	s7 =	sadd.s32 $0xC80, s7  }
0xb4: {  	s17 =	sadd.s32 $0x19, s17;
	s18 =	sadd.s32 $0x19, s18;
	s19 =	sadd.s32 $0x19, s19  }
0xb5: {  	s20 =	sadd.s32 $0x19, s20;
	s21 =	sadd.s32 $0xC8, s21;
	s8 =	sadd.s32 $0x1680, s8  }
0xb6: {  	[tilespmem:s31], [sflag:$0x5] =	stream.linear.gather [hbm4b:s8+s4], $0x1400, $0x38;
	[tilespmem:$0x1A080] =	vst v63  }
.LBB2_8:
0xb7: {  	s7 =	simm.s32 $0x0  }
0xb8: {  	s7 =	sand.u32 $0xF, s7  }
0xb9: {  	[bflag:$0x0] =	sbarrier.arrive $0xFFFF;
	s13 =	simm.s32 $0x1;
	p0 =	sne.s32 s7, s2  }
0xba: {  	s14 =	sadd.s32 $0x280, s22;
	s17 =	sadd.s32 $0x1400, s3;
	s8 =	sshll.u32 @!p0 s2, $0x6  }
0xbb: {  	s18 =	smov.u32 s22;
	s20 =	sshrl.u32 @!p0 s3, $0x3;
	s19 =	sor.u32 @!p0 $0x1C06, s8  }
.LBB2_9:
0xbc: {  	[hbm:s18], [sflag:s19] =	dma.local @!p0 [spmem:s20], $0x280  }
0xbd: {  	s8 =	smov.u32 s13;
	s13 =	sadd.s32 $0x1, s13  }
0xbe: {  	p1 =	sne.s32 s13, $0xFA  }
.Ltmp4:
0xbf: {  	(pc) =	sbr.rel @p1 .LBB2_9-.Ltmp4, $4  }
0xc0: {  	s18 =	smov.u32 s14;
	s8 =	sand.u32 $0xF, s8  }
0xc1: {  	p0 =	sne.s32 s8, s2  }
0xc2: {  	s14 =	sadd.s32 $0x280, s14;
	s8 =	sshll.u32 @!p0 s2, $0x6  }
0xc3: {  	s20 =	sshrl.u32 @!p0 s17, $0x3;
	s17 =	sadd.s32 $0x1400, s17;
	s19 =	sor.u32 @!p0 $0x1C06, s8  }
0xc4: {  	[hbm:s18], [sflag:s19] =	dma.local @!p0 [spmem:s20], $0x280  }
0xc5: {  	p0 =	sne.s32 s7, s2  }
0xc6: {  	s13 =	simm.s32 @!p0 $0x6  }
0xc7: {  	_ =	swait.ge @!p0 [sflag:s13], $0x280  }
0xc8: {  	s7 =	simm.s32 $0x1;
	[sflag:s13] =	ssyncset.done @!p0 $0x0  }
.LBB2_11:
0xc9: {  	s8 =	smov.u32 s7;
	s7 =	sadd.s32 $0x1, s7  }
0xca: {  	[sflag:s13] =	ssyncadd.s32 @!p0 $0xFFFFFD80;
	p1 =	sne.s32 s7, $0xFA  }
.Ltmp5:
0xcb: {  	s8 =	sand.u32 $0xF, s8;
	(pc) =	sbr.rel @p1 .LBB2_11-.Ltmp5, $4  }
0xcc: {  	p0 =	sne.s32 s8, s2  }
0xcd: {  	s13 =	simm.s32 @!p0 $0x6  }
0xce: {  	_ =	swait.ge @!p0 [sflag:s13], $0x280  }
0xcf: {  	[sflag:s13] =	ssyncset.done @!p0 $0x0  }
0xd0: {  	s6 =	sadd.s32 $0x1, s6;
	s7 =	rddreg [dreg:$0xf]  }
0xd1: {  	p1 =	sne.s32 s6, s7  }
.Ltmp6:
0xd2: {  	_ = 	snop;
	(pc) =	sbr.rel @p1 .LBB2_1-.Ltmp6, $2  }
0xd3: {  	_ =	sdelay $0x2  }
0xd4: {  	[sflag:s13] =	ssyncadd.s32 @!p0 $0xFFFFFD80  }
0xd5: {  	_ =	sfence.sel $0x180000  }
0xd6: {  	[bflag:$0x0] =	sbarrier.arrive $0xFFFF  }
0xd7: {  	_ =	strace $0x90000047  }
0xd8: {  	[bflag:$0x2] =	sbarrier.arrive $0xFFFF  }
0xd9: {  	p0 =	sne.s32 s2, $0x0;
	s0 =	rddreg [dreg:$0x4]  }
0xda: {  	s0 =	sadd.s32 @!p0 $0x100000, s0  }
0xdb: {  	[sflag:s0] =	ssyncadd.tile.s32 @!p0 $0x1;
	_ =	shalt  }
.Lfunc_end2:
_tile_overlayer_lowered:
.L_overlay_start_2:
0xdc: {  	(tag) =	ssettag $0x2  }
0xdd: {  	s0 =	rddreg [dreg:$0x0];
	s2 =	stileid.u32  }
0xde: {  	s1 =	rddreg [dreg:$0x1];
	p0 =	sne.s32 s2, $0x0  }
0xdf: {  	s3 =	rddreg [dreg:$0x2];
	[bflag:$0x3] =	sbarrier.arrive $0xFFFF;
	s2 =	simm.s32 @!p0 $0x1C07  }
0xe0: {  	[timem:s3], [sflag:s2] =	dma.local @!p0 [hbm:s0], s1  }
0xe1: {  	s0 =	simm.s32 @!p0 $0x7  }
0xe2: {  	_ =	swait.ge @!p0 [sflag:s0], s1  }
0xe3: {  	s1 =	ssub.s32 @!p0 $0x0, s1;
	[sflag:s0] =	ssyncset.done @!p0 $0x0  }
0xe4: {  	[sflag:s0] =	ssyncadd.s32 @!p0 s1  }
0xe5: {  	[bflag:$0x3] =	sbarrier.arrive $0xFFFF  }
0xe6: {  	_ =	shalt  }

</sc_bundles>
